<compile_context>
chip_gen: v7x
topology: tpu7x:2x2x1
jax: 0.10.2.dev20260603
libtpu: 0.0.44.dev20260713+nightly
codegen_flags: <defaults>
</compile_context>

<pallas_src>
import functools

import jax
import jax.numpy as jnp
from jax import lax
from jax.experimental import pallas as pl
from jax.experimental.pallas import tpu as pltpu
from jax.experimental.pallas import tpu_sc as plsc

N_NODES = 10000
N_EDGES = 320000
NC = 2
NS = 16
CHUNK = 128
NROWS = 2560
N_EDGES_PAD = NROWS * CHUNK
ACC_ROWS = N_NODES + 128
ROWS_A = 632
ROWS_LAST = N_NODES - (NS - 1) * ROWS_A


def _degree_kernel(dst_hbm, degp_out, ones_v, dsts_v, zero_v, acc1d, semi,
                   semd0, semd1):
  c = lax.axis_index("c")
  s = lax.axis_index("s")
  w = c * NS + s
  rpw = NROWS // (NC * NS)
  cpd = pltpu.async_copy(dst_hbm.at[pl.ds(w * rpw, rpw)], dsts_v, semi)
  for k in range(8):
    ones_v[pl.ds(k * 16, 16)] = jnp.full((16,), 1.0, jnp.float32)
  @pl.when(s == 0)
  def _():
    def zloop(i, _):
      zero_v[pl.ds(i * 16, 16)] = jnp.zeros((16,), jnp.float32)
      return 0
    lax.fori_loop(0, N_NODES // 16, zloop, 0)
    pltpu.sync_copy(zero_v, acc1d.at[pl.ds(0, N_NODES)])
  cpd.wait()
  plsc.subcore_barrier()
  ones_sl = ones_v.at[pl.ds(0, CHUNK)]
  def d_start(j, sem):
    pltpu.async_copy(ones_sl, acc1d.at[dsts_v.at[j]], sem, add=True)
  def d_wait(j, sem):
    pltpu.make_async_copy(ones_sl, acc1d.at[dsts_v.at[j]], sem).wait()
  d_start(0, semd0)
  def body(jj, _):
    a = 2 * jj
    d_start(a + 1, semd1)
    d_wait(a, semd0)
    @pl.when(a + 2 < rpw)
    def _():
      d_start(a + 2, semd0)
    d_wait(a + 1, semd1)
    return 0
  lax.fori_loop(0, rpw // 2, body, 0)
  plsc.subcore_barrier()
  @pl.when(s == 0)
  def _():
    pltpu.sync_copy(acc1d.at[pl.ds(0, N_NODES)], zero_v)
    pltpu.sync_copy(zero_v, degp_out.at[pl.ds(c * N_NODES, N_NODES)])


@functools.cache
def _mesh():
  return plsc.VectorSubcoreMesh(core_axis_name="c", subcore_axis_name="s",
                                num_cores=NC, num_subcores=NS)


@functools.cache
def _degree():
  rpw = NROWS // (NC * NS)
  return pl.kernel(
      _degree_kernel,
      out_type=jax.ShapeDtypeStruct((NC * N_NODES,), jnp.float32),
      mesh=_mesh(),
      scratch_types=[
          pltpu.VMEM((128,), jnp.float32),
          pltpu.VMEM((rpw, CHUNK), jnp.int32),
          pltpu.VMEM((N_NODES,), jnp.float32),
          pltpu.MemorySpace.VMEM_SHARED((ACC_ROWS,), jnp.float32),
          pltpu.SemaphoreType.DMA,
          pltpu.SemaphoreType.DMA,
          pltpu.SemaphoreType.DMA,
      ],
      name="degree",
  )


def _propagate_kernel(h_hbm, src_hbm, dst_hbm, acc_out,
                      s0, s1, d0, d1, rows0, rows1, acc,
                      semi0, semi1, semg0, semg1, semsc0, semsc1):
  c = lax.axis_index("c")
  s = lax.axis_index("s")
  nch = NROWS // (NC * NS)
  ebase = (c * NS + s) * nch * CHUNK

  def i_start(a, sv, dv, sem):
    o = pl.multiple_of(a * CHUNK, CHUNK)
    pltpu.async_copy(src_hbm.at[pl.ds(ebase + o, CHUNK)], sv, sem)
    pltpu.async_copy(dst_hbm.at[pl.ds(ebase + o, CHUNK)], dv, sem)

  def i_wait(sv, dv, sem):
    pltpu.make_async_copy(src_hbm.at[pl.ds(ebase, CHUNK)], sv, sem).wait()
    pltpu.make_async_copy(dst_hbm.at[pl.ds(ebase, CHUNK)], dv, sem).wait()

  def g_start(sv, rows, sem):
    pltpu.async_copy(h_hbm.at[sv], rows, sem)

  def g_wait(sv, rows, sem):
    pltpu.make_async_copy(h_hbm.at[sv], rows, sem).wait()

  i_start(0, s0, d0, semi0)
  i_start(1, s1, d1, semi1)

  r0 = s * ROWS_A
  def init_io(n):
    pltpu.sync_copy(h_hbm.at[pl.ds(r0, n)], acc.at[pl.ds(r0, n)])
  @pl.when(s < NS - 1)
  def _():
    init_io(ROWS_A)
  @pl.when(s == NS - 1)
  def _():
    init_io(ROWS_LAST)
  i_wait(s0, d0, semi0)
  plsc.subcore_barrier()

  def s_start(rows, dv, sem):
    pltpu.async_copy(rows, acc.at[dv], sem, add=True)

  def s_wait(rows, dv, sem):
    pltpu.make_async_copy(rows, acc.at[dv], sem).wait()

  g_start(s0, rows0, semg0)
  def body(j, _):
    a = 2 * j
    g_wait(s0, rows0, semg0)
    i_wait(s1, d1, semi1)
    g_start(s1, rows1, semg1)
    s_start(rows0, d0, semsc0)
    g_wait(s1, rows1, semg1)
    s_start(rows1, d1, semsc1)
    s_wait(rows0, d0, semsc0)
    @pl.when(a + 2 < nch)
    def _():
      i_start(a + 2, s0, d0, semi0)
      i_wait(s0, d0, semi0)
      g_start(s0, rows0, semg0)
    s_wait(rows1, d1, semsc1)
    @pl.when(a + 3 < nch)
    def _():
      i_start(a + 3, s1, d1, semi1)
    return 0
  lax.fori_loop(0, nch // 2, body, 0)
  plsc.subcore_barrier()

  @pl.when(s < NS - 1)
  def _():
    pltpu.sync_copy(acc.at[pl.ds(r0, ROWS_A)],
                    acc_out.at[c, pl.ds(r0, ROWS_A)])
  @pl.when(s == NS - 1)
  def _():
    pltpu.sync_copy(acc.at[pl.ds(r0, ROWS_LAST)],
                    acc_out.at[c, pl.ds(r0, ROWS_LAST)])


@functools.cache
def _make_propagate():
  return pl.kernel(
      _propagate_kernel,
      out_type=jax.ShapeDtypeStruct((NC, N_NODES, 128), jnp.float32),
      mesh=_mesh(),
      scratch_types=[
          pltpu.VMEM((CHUNK,), jnp.int32),
          pltpu.VMEM((CHUNK,), jnp.int32),
          pltpu.VMEM((CHUNK,), jnp.int32),
          pltpu.VMEM((CHUNK,), jnp.int32),
          pltpu.VMEM((CHUNK, 128), jnp.float32),
          pltpu.VMEM((CHUNK, 128), jnp.float32),
          pltpu.MemorySpace.VMEM_SHARED((ACC_ROWS, 128), jnp.float32),
          pltpu.SemaphoreType.DMA,
          pltpu.SemaphoreType.DMA,
          pltpu.SemaphoreType.DMA,
          pltpu.SemaphoreType.DMA,
          pltpu.SemaphoreType.DMA,
          pltpu.SemaphoreType.DMA,
      ],
      name="propagate",
  )



_BLK = 512
_GRID = (N_NODES + _BLK - 1) // _BLK


def _dinv_from(degp):
  deg = jnp.sum(degp, axis=0) + 1.0
  return lax.rsqrt(deg)


def _tc0_kernel(x_ref, degp_ref, xs_ref):
  dinv = _dinv_from(degp_ref[...])
  xs_ref[...] = x_ref[...] * dinv[:, None]


def _tc1_kernel(acc1_ref, xs_ref, degp_ref, w1_ref, b1_ref, w2_ref, a_ref,
                h2s_ref):
  a = a_ref[0, 0]
  dinv = _dinv_from(degp_ref[...])
  agg = (acc1_ref[0] + acc1_ref[1] - xs_ref[...]) * dinv[:, None]
  h1 = jnp.dot(agg, w1_ref[...], preferred_element_type=jnp.float32)
  h1 = h1 + b1_ref[...][None, :]
  h1 = jnp.where(h1 >= 0, h1, a * h1)
  h2 = jnp.dot(h1, w2_ref[...], preferred_element_type=jnp.float32)
  h2s_ref[...] = h2 * dinv[:, None]


def _tc2_kernel(acc2_ref, h2s_ref, degp_ref, b2_ref, a_ref, out_ref):
  a = a_ref[0, 0]
  dinv = _dinv_from(degp_ref[...])
  agg = acc2_ref[0] + acc2_ref[1] - h2s_ref[...]
  out = agg * dinv[:, None] + b2_ref[...][None, :]
  out_ref[...] = jnp.where(out >= 0, out, a * out)


def _row_spec(shape_tail):
  return pl.BlockSpec((_BLK,) + shape_tail, lambda i: (i,) + (0,) * len(shape_tail))


_degp_spec = pl.BlockSpec((NC, _BLK), lambda i: (0, i))
_smem_spec = pl.BlockSpec(memory_space=pltpu.MemorySpace.SMEM)


def _full_spec(ndim):
  return pl.BlockSpec(None, lambda i: (0,) * ndim)


_acc_spec = pl.BlockSpec((NC, _BLK, 128), lambda i: (0, i, 0))

_tc0 = pl.pallas_call(
    _tc0_kernel,
    grid=(_GRID,),
    in_specs=[_row_spec((128,)), _degp_spec],
    out_specs=_row_spec((128,)),
    out_shape=jax.ShapeDtypeStruct((N_NODES, 128), jnp.float32),
)

_tc1 = pl.pallas_call(
    _tc1_kernel,
    grid=(_GRID,),
    in_specs=[_acc_spec, _row_spec((128,)), _degp_spec,
              _full_spec(2), _full_spec(1), _full_spec(2), _smem_spec],
    out_specs=_row_spec((128,)),
    out_shape=jax.ShapeDtypeStruct((N_NODES, 128), jnp.float32),
)

_tc2 = pl.pallas_call(
    _tc2_kernel,
    grid=(_GRID,),
    in_specs=[_acc_spec, _row_spec((128,)), _degp_spec,
              _full_spec(1), _smem_spec],
    out_specs=_row_spec((128,)),
    out_shape=jax.ShapeDtypeStruct((N_NODES, 128), jnp.float32),
)



@jax.jit
def kernel(x, edge_index, W1, b1, W2, b2, prelu_a):
  npad = N_EDGES_PAD - N_EDGES
  src = jnp.concatenate(
      [edge_index[0].astype(jnp.int32),
       jnp.arange(npad, dtype=jnp.int32) % N_NODES])
  dst = jnp.concatenate(
      [edge_index[1].astype(jnp.int32),
       N_NODES + (jnp.arange(npad, dtype=jnp.int32) % 128)])
  a = jnp.reshape(prelu_a.astype(jnp.float32), (1, 1))

  prop = _make_propagate()
  degp = _degree()(dst.reshape(NROWS, CHUNK)).reshape(NC, N_NODES)
  xs = _tc0(x, degp)
  acc1 = prop(xs, src, dst)
  h2s = _tc1(acc1, xs, degp, W1, b1, W2, a)
  acc2 = prop(h2s, src, dst)
  return _tc2(acc2, h2s, degp, b2, a)

# --- scband reference (transcript-rebuilt; emitter-appended) ---
"""Pipeline reference for scband-gcn-61607010893873 (READ-ONLY COPY).

The authoritative reference and input builder live on the scoring server;
editing this copy changes nothing except your own understanding.
"""

import jax, jax.numpy as jnp
import numpy as np

N_NODES = 10000
IN_FT = 128
OUT_FT = 128
HID = 2 * OUT_FT
N_EDGES = 320000


def setup_inputs(seed: int = 0) -> dict:
    key = jax.random.key(seed)
    ks = jax.random.split(key, 8)
    x = jax.random.normal(ks[0], (N_NODES, IN_FT), dtype=jnp.float32)
    edge_index = jax.random.randint(ks[1], (2, N_EDGES), 0, N_NODES, dtype=jnp.int64)
    # GCNConv params (glorot for weights, zeros for bias, PReLU a=0.25)
    lim1 = float(np.sqrt(6.0 / (IN_FT + HID)))
    W1 = jax.random.uniform(ks[2], (IN_FT, HID), minval=-lim1, maxval=lim1, dtype=jnp.float32)
    b1 = jnp.zeros((HID,), dtype=jnp.float32)
    lim2 = float(np.sqrt(6.0 / (HID + OUT_FT)))
    W2 = jax.random.uniform(ks[3], (HID, OUT_FT), minval=-lim2, maxval=lim2, dtype=jnp.float32)
    b2 = jnp.zeros((OUT_FT,), dtype=jnp.float32)
    prelu_a = jnp.array(0.25, dtype=jnp.float32)
    return {"x": x, "edge_index": edge_index, "W1": W1, "b1": b1, "W2": W2, "b2": b2, "prelu_a": prelu_a}


def _gcn_conv(x, src, dst, W, b, num_nodes):
    # x' = D^-1/2 (A+I) D^-1/2 X W + b  (PyG GCNConv with add_self_loops)
    h = x @ W
    deg = jnp.zeros((num_nodes,), dtype=h.dtype).at[dst].add(1.0)
    dinv = jnp.where(deg > 0, deg ** -0.5, 0.0)
    norm = dinv[src] * dinv[dst]
    msg = h[src] * norm[:, None]
    out = jnp.zeros((num_nodes, h.shape[1]), dtype=h.dtype).at[dst].add(msg)
    return out + b


def _prelu(x, a):
    return jnp.where(x >= 0, x, a * x)


def reference(x, edge_index, W1, b1, W2, b2, prelu_a):
    num_nodes = x.shape[0]
    loop = jnp.arange(num_nodes, dtype=edge_index.dtype)
    src = jnp.concatenate([edge_index[0], loop])
    dst = jnp.concatenate([edge_index[1], loop])
    h = _gcn_conv(x, src, dst, W1, b1, num_nodes)
    h = _prelu(h, prelu_a)
    # dropout p=0.0 -> identity
    h = _gcn_conv(h, src, dst, W2, b2, num_nodes)
    h = _prelu(h, prelu_a)
    return h

if __name__ == "__main__":
    import jax
    _d = setup_inputs()
    print(jax.jit(kernel)(*tuple(_d.values())))

</pallas_src>

<mosaic_0001>
#map = affine_map<(d0, d1) -> (0, 0)>
#map1 = affine_map<(d0, d1) -> (0)>
module attributes {stable_mosaic.version = 14 : i64} {
  func.func @degree(%arg0: i32, %arg1: i32, %arg2: memref<2560x128xi32, #tpu.memory_space<hbm>>, %arg3: memref<20000xf32, #tpu.memory_space<hbm>>, %arg4: memref<128xf32, #tpu.memory_space<vmem>>, %arg5: memref<80x128xi32, #tpu.memory_space<vmem>>, %arg6: memref<10000xf32, #tpu.memory_space<vmem>>, %arg7: memref<10128xf32, #tpu.memory_space<vmem_shared>>, %arg8: memref<!tpu.dma_semaphore, #tpu.memory_space<semaphore_mem>>, %arg9: memref<!tpu.dma_semaphore, #tpu.memory_space<semaphore_mem>>, %arg10: memref<!tpu.dma_semaphore, #tpu.memory_space<semaphore_mem>>) attributes {dimension_semantics = [#tpu.dimension_semantics<core_parallel>, #tpu.dimension_semantics<subcore_parallel>], iteration_bounds = array<i64: 2, 16>, scalar_prefetch = 0 : i64, scratch_operands = 7 : i64, tpu.core_type = #tpu.core_type<sc_vector_subcore>, window_params = [{transform_indices = #map}, {transform_indices = #map1}]} {
    %mul3A = arith.constant 16 : i32
    %mul3A_0 = arith.muli %arg0, %mul3A : i32
    %add3A = arith.addi %mul3A_0, %arg1 : i32
    %mul3A_1 = arith.constant 80 : i32
    %mul3A_2 = arith.muli %add3A, %mul3A_1 : i32
    %dma_start3A = arith.constant 0 : i32
    %dma_start3A_3 = tpu.memref_slice %arg2[%mul3A_2, %dma_start3A] : memref<2560x128xi32, #tpu.memory_space<hbm>> -> memref<80x128xi32, #tpu.memory_space<hbm>>
    %dma_start3A_4 = arith.constant 0 : i32
    %dma_start3A_5 = tpu.memref_slice %arg2[%mul3A_2, %dma_start3A_4] : memref<2560x128xi32, #tpu.memory_space<hbm>> -> memref<80x128xi32, #tpu.memory_space<hbm>>
    tpu.enqueue_dma source(%dma_start3A_5 : memref<80x128xi32, #tpu.memory_space<hbm>>) target(%arg5 : memref<80x128xi32, #tpu.memory_space<vmem>>) target_semaphore(%arg8 : memref<!tpu.dma_semaphore, #tpu.memory_space<semaphore_mem>>)
    %broadcast_in_dim3A = arith.constant 1.000000e+00 : f32
    %broadcast_in_dim3A_6 = vector.broadcast %broadcast_in_dim3A : f32 to vector<16xf32>
    %swap3A = arith.constant 0 : index
    %swap3A_7 = tpu.vector_load %arg4[%swap3A] {strides = array<i32>} : memref<128xf32, #tpu.memory_space<vmem>>, vector<16xf32>,
    %swap3A_8 = vector.shape_cast %swap3A_7 : vector<16xf32> to vector<16xf32>
    %swap3A_9 = vector.shape_cast %broadcast_in_dim3A_6 : vector<16xf32> to vector<16xf32>
    tpu.vector_store %arg4[%swap3A], %swap3A_9 {strides = array<i32>} : memref<128xf32, #tpu.memory_space<vmem>>, vector<16xf32>,
    %broadcast_in_dim3A_10 = arith.constant 1.000000e+00 : f32
    %broadcast_in_dim3A_11 = vector.broadcast %broadcast_in_dim3A_10 : f32 to vector<16xf32>
    %swap3A_12 = arith.constant 16 : index
    %swap3A_13 = tpu.vector_load %arg4[%swap3A_12] {strides = array<i32>} : memref<128xf32, #tpu.memory_space<vmem>>, vector<16xf32>,
    %swap3A_14 = vector.shape_cast %swap3A_13 : vector<16xf32> to vector<16xf32>
    %swap3A_15 = vector.shape_cast %broadcast_in_dim3A_11 : vector<16xf32> to vector<16xf32>
    tpu.vector_store %arg4[%swap3A_12], %swap3A_15 {strides = array<i32>} : memref<128xf32, #tpu.memory_space<vmem>>, vector<16xf32>,
    %broadcast_in_dim3A_16 = arith.constant 1.000000e+00 : f32
    %broadcast_in_dim3A_17 = vector.broadcast %broadcast_in_dim3A_16 : f32 to vector<16xf32>
    %swap3A_18 = arith.constant 32 : index
    %swap3A_19 = tpu.vector_load %arg4[%swap3A_18] {strides = array<i32>} : memref<128xf32, #tpu.memory_space<vmem>>, vector<16xf32>,
    %swap3A_20 = vector.shape_cast %swap3A_19 : vector<16xf32> to vector<16xf32>
    %swap3A_21 = vector.shape_cast %broadcast_in_dim3A_17 : vector<16xf32> to vector<16xf32>
    tpu.vector_store %arg4[%swap3A_18], %swap3A_21 {strides = array<i32>} : memref<128xf32, #tpu.memory_space<vmem>>, vector<16xf32>,
    %broadcast_in_dim3A_22 = arith.constant 1.000000e+00 : f32
    %broadcast_in_dim3A_23 = vector.broadcast %broadcast_in_dim3A_22 : f32 to vector<16xf32>
    %swap3A_24 = arith.constant 48 : index
    %swap3A_25 = tpu.vector_load %arg4[%swap3A_24] {strides = array<i32>} : memref<128xf32, #tpu.memory_space<vmem>>, vector<16xf32>,
    %swap3A_26 = vector.shape_cast %swap3A_25 : vector<16xf32> to vector<16xf32>
    %swap3A_27 = vector.shape_cast %broadcast_in_dim3A_23 : vector<16xf32> to vector<16xf32>
    tpu.vector_store %arg4[%swap3A_24], %swap3A_27 {strides = array<i32>} : memref<128xf32, #tpu.memory_space<vmem>>, vector<16xf32>,
    %broadcast_in_dim3A_28 = arith.constant 1.000000e+00 : f32
    %broadcast_in_dim3A_29 = vector.broadcast %broadcast_in_dim3A_28 : f32 to vector<16xf32>
    %swap3A_30 = arith.constant 64 : index
    %swap3A_31 = tpu.vector_load %arg4[%swap3A_30] {strides = array<i32>} : memref<128xf32, #tpu.memory_space<vmem>>, vector<16xf32>,
    %swap3A_32 = vector.shape_cast %swap3A_31 : vector<16xf32> to vector<16xf32>
    %swap3A_33 = vector.shape_cast %broadcast_in_dim3A_29 : vector<16xf32> to vector<16xf32>
    tpu.vector_store %arg4[%swap3A_30], %swap3A_33 {strides = array<i32>} : memref<128xf32, #tpu.memory_space<vmem>>, vector<16xf32>,
    %broadcast_in_dim3A_34 = arith.constant 1.000000e+00 : f32
    %broadcast_in_dim3A_35 = vector.broadcast %broadcast_in_dim3A_34 : f32 to vector<16xf32>
    %swap3A_36 = arith.constant 80 : index
    %swap3A_37 = tpu.vector_load %arg4[%swap3A_36] {strides = array<i32>} : memref<128xf32, #tpu.memory_space<vmem>>, vector<16xf32>,
    %swap3A_38 = vector.shape_cast %swap3A_37 : vector<16xf32> to vector<16xf32>
    %swap3A_39 = vector.shape_cast %broadcast_in_dim3A_35 : vector<16xf32> to vector<16xf32>
    tpu.vector_store %arg4[%swap3A_36], %swap3A_39 {strides = array<i32>} : memref<128xf32, #tpu.memory_space<vmem>>, vector<16xf32>,
    %broadcast_in_dim3A_40 = arith.constant 1.000000e+00 : f32
    %broadcast_in_dim3A_41 = vector.broadcast %broadcast_in_dim3A_40 : f32 to vector<16xf32>
    %swap3A_42 = arith.constant 96 : index
    %swap3A_43 = tpu.vector_load %arg4[%swap3A_42] {strides = array<i32>} : memref<128xf32, #tpu.memory_space<vmem>>, vector<16xf32>,
    %swap3A_44 = vector.shape_cast %swap3A_43 : vector<16xf32> to vector<16xf32>
    %swap3A_45 = vector.shape_cast %broadcast_in_dim3A_41 : vector<16xf32> to vector<16xf32>
    tpu.vector_store %arg4[%swap3A_42], %swap3A_45 {strides = array<i32>} : memref<128xf32, #tpu.memory_space<vmem>>, vector<16xf32>,
    %broadcast_in_dim3A_46 = arith.constant 1.000000e+00 : f32
    %broadcast_in_dim3A_47 = vector.broadcast %broadcast_in_dim3A_46 : f32 to vector<16xf32>
    %swap3A_48 = arith.constant 112 : index
    %swap3A_49 = tpu.vector_load %arg4[%swap3A_48] {strides = array<i32>} : memref<128xf32, #tpu.memory_space<vmem>>, vector<16xf32>,
    %swap3A_50 = vector.shape_cast %swap3A_49 : vector<16xf32> to vector<16xf32>
    %swap3A_51 = vector.shape_cast %broadcast_in_dim3A_47 : vector<16xf32> to vector<16xf32>
    tpu.vector_store %arg4[%swap3A_48], %swap3A_51 {strides = array<i32>} : memref<128xf32, #tpu.memory_space<vmem>>, vector<16xf32>,
    %eq3A = arith.constant 0 : i32
    %eq3A_52 = arith.cmpi eq, %arg1, %eq3A : i32
    %convert_element_type3A = arith.extui %eq3A_52 : i1 to i32
    %cond3A = arith.constant 0 : i32
    %cond3A_53 = arith.cmpi ne, %convert_element_type3A, %cond3A : i32
    scf.if %cond3A_53 {
      %scan3A_77 = arith.constant 0 : i32
      %scan3A_78 = arith.constant 0 : i32
      %scan3A_79 = arith.constant 625 : i32
      %scan3A_80 = arith.addi %scan3A_78, %scan3A_79 : i32
      %scan3A_81 = arith.constant 1 : i32
      %scan3A_82 = scf.for %scan3A_84 = %scan3A_78 to %scan3A_80 step %scan3A_81 iter_args(%scan3A_85 = %scan3A_77) -> (i32)  : i32 {
        %broadcast_in_dim3A_86 = arith.constant 0.000000e+00 : f32
        %broadcast_in_dim3A_87 = vector.broadcast %broadcast_in_dim3A_86 : f32 to vector<16xf32>
        %mul3A_88 = arith.constant 16 : i32
        %mul3A_89 = arith.muli %scan3A_84, %mul3A_88 : i32
        %swap3A_90 = arith.index_cast %mul3A_89 : i32 to index
        %swap3A_91 = tpu.vector_load %arg6[%swap3A_90] {strides = array<i32>} : memref<10000xf32, #tpu.memory_space<vmem>>, vector<16xf32>,
        %swap3A_92 = vector.shape_cast %swap3A_91 : vector<16xf32> to vector<16xf32>
        %swap3A_93 = vector.shape_cast %broadcast_in_dim3A_87 : vector<16xf32> to vector<16xf32>
        tpu.vector_store %arg6[%swap3A_90], %swap3A_93 {strides = array<i32>} : memref<10000xf32, #tpu.memory_space<vmem>>, vector<16xf32>,
        %scan3A_94 = arith.constant 0 : i32
        scf.yield %scan3A_94 : i32
      }
      %scan3A_83 = arith.constant 625 : i32
      "tpu.region"() ({
        %run_scoped3A = tpu.sem_alloc : memref<!tpu.dma_semaphore, #tpu.memory_space<semaphore_mem>>
        %dma_start3A_84 = arith.constant 0 : i32
        %dma_start3A_85 = tpu.memref_slice %arg7[%dma_start3A_84] : memref<10128xf32, #tpu.memory_space<vmem_shared>> -> memref<10000xf32, #tpu.memory_space<vmem_shared>>
        %dma_start3A_86 = arith.constant 0 : i32
        %dma_start3A_87 = tpu.memref_slice %arg7[%dma_start3A_86] : memref<10128xf32, #tpu.memory_space<vmem_shared>> -> memref<10000xf32, #tpu.memory_space<vmem_shared>>
        tpu.enqueue_dma source(%arg6 : memref<10000xf32, #tpu.memory_space<vmem>>) target(%dma_start3A_87 : memref<10000xf32, #tpu.memory_space<vmem_shared>>) target_semaphore(%run_scoped3A : memref<!tpu.dma_semaphore, #tpu.memory_space<semaphore_mem>>)
        %dma_wait3A_88 = arith.constant 0 : i32
        %dma_wait3A_89 = tpu.memref_slice %arg7[%dma_wait3A_88] : memref<10128xf32, #tpu.memory_space<vmem_shared>> -> memref<10000xf32, #tpu.memory_space<vmem_shared>>
        %dma_wait3A_90 = arith.constant 0 : i32
        %dma_wait3A_91 = tpu.memref_slice %arg7[%dma_wait3A_90] : memref<10128xf32, #tpu.memory_space<vmem_shared>> -> memref<10000xf32, #tpu.memory_space<vmem_shared>>
        tpu.wait_dma2 semaphore(%run_scoped3A : memref<!tpu.dma_semaphore, #tpu.memory_space<semaphore_mem>>) src(%arg6 : memref<10000xf32, #tpu.memory_space<vmem>>) dst(%dma_wait3A_91 : memref<10000xf32, #tpu.memory_space<vmem_shared>>)
        tpu.yield
      }) : () -> ()
    } else {
    }
    %dma_wait3A = arith.constant 0 : i32
    %dma_wait3A_54 = tpu.memref_slice %arg2[%mul3A_2, %dma_wait3A] : memref<2560x128xi32, #tpu.memory_space<hbm>> -> memref<80x128xi32, #tpu.memory_space<hbm>>
    %dma_wait3A_55 = arith.constant 0 : i32
    %dma_wait3A_56 = tpu.memref_slice %arg2[%mul3A_2, %dma_wait3A_55] : memref<2560x128xi32, #tpu.memory_space<hbm>> -> memref<80x128xi32, #tpu.memory_space<hbm>>
    tpu.wait_dma2 semaphore(%arg8 : memref<!tpu.dma_semaphore, #tpu.memory_space<semaphore_mem>>) src(%dma_wait3A_56 : memref<80x128xi32, #tpu.memory_space<hbm>>) dst(%arg5 : memref<80x128xi32, #tpu.memory_space<vmem>>)
    %barrier3A = arith.constant 0 : index
    tpu.barrier barrier_id(%barrier3A)
    %dma_start3A_57 = arith.constant 0 : i32
    %dma_start3A_58 = arith.constant 0 : i32
    %dma_start3A_59 = tpu.memref_slice %arg4[%dma_start3A_58] : memref<128xf32, #tpu.memory_space<vmem>> -> memref<128xf32, #tpu.memory_space<vmem>>
    %dma_start3A_60 = arith.constant 0 : i32
    %dma_start3A_61 = tpu.memref_slice %arg5[%dma_start3A_57, %dma_start3A_60] : memref<80x128xi32, #tpu.memory_space<vmem>> -> memref<1x128xi32, #tpu.memory_space<vmem>>
    %dma_start3A_62 = tpu.memref_squeeze %dma_start3A_61 : memref<1x128xi32, #tpu.memory_space<vmem>> -> memref<128xi32, #tpu.memory_space<vmem>>
    %dma_start3A_63 = arith.constant 0 : i32
    %dma_start3A_64 = tpu.memref_slice %arg7[%dma_start3A_63] : memref<10128xf32, #tpu.memory_space<vmem_shared>> -> memref<10128xf32, #tpu.memory_space<vmem_shared>>
    tpu.enqueue_indirect_dma source(%dma_start3A_59 : memref<128xf32, #tpu.memory_space<vmem>>) target(%dma_start3A_64 : memref<10128xf32, #tpu.memory_space<vmem_shared>>) offsets(%dma_start3A_62 : memref<128xi32, #tpu.memory_space<vmem>>) semaphore(%arg9 : memref<!tpu.dma_semaphore, #tpu.memory_space<semaphore_mem>>) {add = true}
    %scan3A = arith.constant 0 : i32
    %scan3A_65 = arith.constant 0 : i32
    %scan3A_66 = arith.constant 40 : i32
    %scan3A_67 = arith.addi %scan3A_65, %scan3A_66 : i32
    %scan3A_68 = arith.constant 1 : i32
    %scan3A_69 = scf.for %scan3A_77 = %scan3A_65 to %scan3A_67 step %scan3A_68 iter_args(%scan3A_78 = %scan3A) -> (i32)  : i32 {
      %mul3A_79 = arith.constant 2 : i32
      %mul3A_80 = arith.muli %mul3A_79, %scan3A_77 : i32
      %add3A_81 = arith.constant 1 : i32
      %add3A_82 = arith.addi %mul3A_80, %add3A_81 : i32
      %dma_start3A_83 = arith.constant 0 : i32
      %dma_start3A_84 = tpu.memref_slice %arg4[%dma_start3A_83] : memref<128xf32, #tpu.memory_space<vmem>> -> memref<128xf32, #tpu.memory_space<vmem>>
      %dma_start3A_85 = arith.constant 0 : i32
      %dma_start3A_86 = tpu.memref_slice %arg5[%add3A_82, %dma_start3A_85] : memref<80x128xi32, #tpu.memory_space<vmem>> -> memref<1x128xi32, #tpu.memory_space<vmem>>
      %dma_start3A_87 = tpu.memref_squeeze %dma_start3A_86 : memref<1x128xi32, #tpu.memory_space<vmem>> -> memref<128xi32, #tpu.memory_space<vmem>>
      %dma_start3A_88 = arith.constant 0 : i32
      %dma_start3A_89 = tpu.memref_slice %arg7[%dma_start3A_88] : memref<10128xf32, #tpu.memory_space<vmem_shared>> -> memref<10128xf32, #tpu.memory_space<vmem_shared>>
      tpu.enqueue_indirect_dma source(%dma_start3A_84 : memref<128xf32, #tpu.memory_space<vmem>>) target(%dma_start3A_89 : memref<10128xf32, #tpu.memory_space<vmem_shared>>) offsets(%dma_start3A_87 : memref<128xi32, #tpu.memory_space<vmem>>) semaphore(%arg10 : memref<!tpu.dma_semaphore, #tpu.memory_space<semaphore_mem>>) {add = true}
      %dma_wait3A_90 = arith.constant 0 : i32
      %dma_wait3A_91 = tpu.memref_slice %arg4[%dma_wait3A_90] : memref<128xf32, #tpu.memory_space<vmem>> -> memref<128xf32, #tpu.memory_space<vmem>>
      %dma_wait3A_92 = arith.constant 0 : i32
      %dma_wait3A_93 = tpu.memref_slice %arg5[%mul3A_80, %dma_wait3A_92] : memref<80x128xi32, #tpu.memory_space<vmem>> -> memref<1x128xi32, #tpu.memory_space<vmem>>
      %dma_wait3A_94 = tpu.memref_squeeze %dma_wait3A_93 : memref<1x128xi32, #tpu.memory_space<vmem>> -> memref<128xi32, #tpu.memory_space<vmem>>
      %dma_wait3A_95 = arith.constant 0 : i32
      %dma_wait3A_96 = tpu.memref_slice %arg7[%dma_wait3A_95] : memref<10128xf32, #tpu.memory_space<vmem_shared>> -> memref<10128xf32, #tpu.memory_space<vmem_shared>>
      tpu.wait_indirect_dma semaphore(%arg9 : memref<!tpu.dma_semaphore, #tpu.memory_space<semaphore_mem>>) src(%dma_wait3A_91 : memref<128xf32, #tpu.memory_space<vmem>>) dst(%dma_wait3A_96 : memref<10128xf32, #tpu.memory_space<vmem_shared>>)
      %add3A_97 = arith.constant 2 : i32
      %add3A_98 = arith.addi %mul3A_80, %add3A_97 : i32
      %lt3A = arith.constant 80 : i32
      %lt3A_99 = arith.cmpi slt, %add3A_98, %lt3A : i32
      %convert_element_type3A_100 = arith.extui %lt3A_99 : i1 to i32
      %cond3A_101 = arith.constant 0 : i32
      %cond3A_102 = arith.cmpi ne, %convert_element_type3A_100, %cond3A_101 : i32
      scf.if %cond3A_102 {
        %add3A_113 = arith.constant 2 : i32
        %add3A_114 = arith.addi %mul3A_80, %add3A_113 : i32
        %dma_start3A_115 = arith.constant 0 : i32
        %dma_start3A_116 = tpu.memref_slice %arg4[%dma_start3A_115] : memref<128xf32, #tpu.memory_space<vmem>> -> memref<128xf32, #tpu.memory_space<vmem>>
        %dma_start3A_117 = arith.constant 0 : i32
        %dma_start3A_118 = tpu.memref_slice %arg5[%add3A_114, %dma_start3A_117] : memref<80x128xi32, #tpu.memory_space<vmem>> -> memref<1x128xi32, #tpu.memory_space<vmem>>
        %dma_start3A_119 = tpu.memref_squeeze %dma_start3A_118 : memref<1x128xi32, #tpu.memory_space<vmem>> -> memref<128xi32, #tpu.memory_space<vmem>>
        %dma_start3A_120 = arith.constant 0 : i32
        %dma_start3A_121 = tpu.memref_slice %arg7[%dma_start3A_120] : memref<10128xf32, #tpu.memory_space<vmem_shared>> -> memref<10128xf32, #tpu.memory_space<vmem_shared>>
        tpu.enqueue_indirect_dma source(%dma_start3A_116 : memref<128xf32, #tpu.memory_space<vmem>>) target(%dma_start3A_121 : memref<10128xf32, #tpu.memory_space<vmem_shared>>) offsets(%dma_start3A_119 : memref<128xi32, #tpu.memory_space<vmem>>) semaphore(%arg9 : memref<!tpu.dma_semaphore, #tpu.memory_space<semaphore_mem>>) {add = true}
      } else {
      }
      %add3A_103 = arith.constant 1 : i32
      %add3A_104 = arith.addi %mul3A_80, %add3A_103 : i32
      %dma_wait3A_105 = arith.constant 0 : i32
      %dma_wait3A_106 = tpu.memref_slice %arg4[%dma_wait3A_105] : memref<128xf32, #tpu.memory_space<vmem>> -> memref<128xf32, #tpu.memory_space<vmem>>
      %dma_wait3A_107 = arith.constant 0 : i32
      %dma_wait3A_108 = tpu.memref_slice %arg5[%add3A_104, %dma_wait3A_107] : memref<80x128xi32, #tpu.memory_space<vmem>> -> memref<1x128xi32, #tpu.memory_space<vmem>>
      %dma_wait3A_109 = tpu.memref_squeeze %dma_wait3A_108 : memref<1x128xi32, #tpu.memory_space<vmem>> -> memref<128xi32, #tpu.memory_space<vmem>>
      %dma_wait3A_110 = arith.constant 0 : i32
      %dma_wait3A_111 = tpu.memref_slice %arg7[%dma_wait3A_110] : memref<10128xf32, #tpu.memory_space<vmem_shared>> -> memref<10128xf32, #tpu.memory_space<vmem_shared>>
      tpu.wait_indirect_dma semaphore(%arg10 : memref<!tpu.dma_semaphore, #tpu.memory_space<semaphore_mem>>) src(%dma_wait3A_106 : memref<128xf32, #tpu.memory_space<vmem>>) dst(%dma_wait3A_111 : memref<10128xf32, #tpu.memory_space<vmem_shared>>)
      %scan3A_112 = arith.constant 0 : i32
      scf.yield %scan3A_112 : i32
    }
    %scan3A_70 = arith.constant 40 : i32
    %barrier3A_71 = arith.constant 0 : index
    tpu.barrier barrier_id(%barrier3A_71)
    %eq3A_72 = arith.constant 0 : i32
    %eq3A_73 = arith.cmpi eq, %arg1, %eq3A_72 : i32
    %convert_element_type3A_74 = arith.extui %eq3A_73 : i1 to i32
    %cond3A_75 = arith.constant 0 : i32
    %cond3A_76 = arith.cmpi ne, %convert_element_type3A_74, %cond3A_75 : i32
    scf.if %cond3A_76 {
      "tpu.region"() ({
        %run_scoped3A = tpu.sem_alloc : memref<!tpu.dma_semaphore, #tpu.memory_space<semaphore_mem>>
        %dma_start3A_79 = arith.constant 0 : i32
        %dma_start3A_80 = tpu.memref_slice %arg7[%dma_start3A_79] : memref<10128xf32, #tpu.memory_space<vmem_shared>> -> memref<10000xf32, #tpu.memory_space<vmem_shared>>
        %dma_start3A_81 = arith.constant 0 : i32
        %dma_start3A_82 = tpu.memref_slice %arg7[%dma_start3A_81] : memref<10128xf32, #tpu.memory_space<vmem_shared>> -> memref<10000xf32, #tpu.memory_space<vmem_shared>>
        tpu.enqueue_dma source(%dma_start3A_82 : memref<10000xf32, #tpu.memory_space<vmem_shared>>) target(%arg6 : memref<10000xf32, #tpu.memory_space<vmem>>) target_semaphore(%run_scoped3A : memref<!tpu.dma_semaphore, #tpu.memory_space<semaphore_mem>>)
        %dma_wait3A_83 = arith.constant 0 : i32
        %dma_wait3A_84 = tpu.memref_slice %arg7[%dma_wait3A_83] : memref<10128xf32, #tpu.memory_space<vmem_shared>> -> memref<10000xf32, #tpu.memory_space<vmem_shared>>
        %dma_wait3A_85 = arith.constant 0 : i32
        %dma_wait3A_86 = tpu.memref_slice %arg7[%dma_wait3A_85] : memref<10128xf32, #tpu.memory_space<vmem_shared>> -> memref<10000xf32, #tpu.memory_space<vmem_shared>>
        tpu.wait_dma2 semaphore(%run_scoped3A : memref<!tpu.dma_semaphore, #tpu.memory_space<semaphore_mem>>) src(%dma_wait3A_86 : memref<10000xf32, #tpu.memory_space<vmem_shared>>) dst(%arg6 : memref<10000xf32, #tpu.memory_space<vmem>>)
        tpu.yield
      }) : () -> ()
      %mul3A_77 = arith.constant 10000 : i32
      %mul3A_78 = arith.muli %arg0, %mul3A_77 : i32
      "tpu.region"() ({
        %run_scoped3A = tpu.sem_alloc : memref<!tpu.dma_semaphore, #tpu.memory_space<semaphore_mem>>
        %dma_start3A_79 = tpu.memref_slice %arg3[%mul3A_78] : memref<20000xf32, #tpu.memory_space<hbm>> -> memref<10000xf32, #tpu.memory_space<hbm>>
        %dma_start3A_80 = tpu.memref_slice %arg3[%mul3A_78] : memref<20000xf32, #tpu.memory_space<hbm>> -> memref<10000xf32, #tpu.memory_space<hbm>>
        tpu.enqueue_dma source(%arg6 : memref<10000xf32, #tpu.memory_space<vmem>>) target(%dma_start3A_80 : memref<10000xf32, #tpu.memory_space<hbm>>) target_semaphore(%run_scoped3A : memref<!tpu.dma_semaphore, #tpu.memory_space<semaphore_mem>>)
        %dma_wait3A_81 = tpu.memref_slice %arg3[%mul3A_78] : memref<20000xf32, #tpu.memory_space<hbm>> -> memref<10000xf32, #tpu.memory_space<hbm>>
        %dma_wait3A_82 = tpu.memref_slice %arg3[%mul3A_78] : memref<20000xf32, #tpu.memory_space<hbm>> -> memref<10000xf32, #tpu.memory_space<hbm>>
        tpu.wait_dma2 semaphore(%run_scoped3A : memref<!tpu.dma_semaphore, #tpu.memory_space<semaphore_mem>>) src(%arg6 : memref<10000xf32, #tpu.memory_space<vmem>>) dst(%dma_wait3A_82 : memref<10000xf32, #tpu.memory_space<hbm>>)
        tpu.yield
      }) : () -> ()
    } else {
    }
    return
  }
}

#map = affine_map<(d0, d1) -> (0, 0)>
#map1 = affine_map<(d0, d1) -> (0)>
#map2 = affine_map<(d0, d1) -> (0, 0, 0)>
module attributes {stable_mosaic.version = 14 : i64} {
  func.func @propagate(%arg0: i32, %arg1: i32, %arg2: memref<10000x128xf32, #tpu.memory_space<hbm>>, %arg3: memref<327680xi32, #tpu.memory_space<hbm>>, %arg4: memref<327680xi32, #tpu.memory_space<hbm>>, %arg5: memref<2x10000x128xf32, #tpu.memory_space<hbm>>, %arg6: memref<128xi32, #tpu.memory_space<vmem>>, %arg7: memref<128xi32, #tpu.memory_space<vmem>>, %arg8: memref<128xi32, #tpu.memory_space<vmem>>, %arg9: memref<128xi32, #tpu.memory_space<vmem>>, %arg10: memref<128x128xf32, #tpu.memory_space<vmem>>, %arg11: memref<128x128xf32, #tpu.memory_space<vmem>>, %arg12: memref<10128x128xf32, #tpu.memory_space<vmem_shared>>, %arg13: memref<!tpu.dma_semaphore, #tpu.memory_space<semaphore_mem>>, %arg14: memref<!tpu.dma_semaphore, #tpu.memory_space<semaphore_mem>>, %arg15: memref<!tpu.dma_semaphore, #tpu.memory_space<semaphore_mem>>, %arg16: memref<!tpu.dma_semaphore, #tpu.memory_space<semaphore_mem>>, %arg17: memref<!tpu.dma_semaphore, #tpu.memory_space<semaphore_mem>>, %arg18: memref<!tpu.dma_semaphore, #tpu.memory_space<semaphore_mem>>) attributes {dimension_semantics = [#tpu.dimension_semantics<core_parallel>, #tpu.dimension_semantics<subcore_parallel>], iteration_bounds = array<i64: 2, 16>, scalar_prefetch = 0 : i64, scratch_operands = 13 : i64, tpu.core_type = #tpu.core_type<sc_vector_subcore>, window_params = [{transform_indices = #map}, {transform_indices = #map1}, {transform_indices = #map1}, {transform_indices = #map2}]} {
    %mul3A = arith.constant 16 : i32
    %mul3A_0 = arith.muli %arg0, %mul3A : i32
    %add3A = arith.addi %mul3A_0, %arg1 : i32
    %mul3A_1 = arith.constant 80 : i32
    %mul3A_2 = arith.muli %add3A, %mul3A_1 : i32
    %mul3A_3 = arith.constant 128 : i32
    %mul3A_4 = arith.muli %mul3A_2, %mul3A_3 : i32
    %multiple_of3A = arith.constant 0 : i32
    %multiple_of3A_5 = tpu.assume_multiple %multiple_of3A, 128 : i32
    %add3A_6 = arith.addi %mul3A_4, %multiple_of3A_5 : i32
    %dma_start3A = tpu.memref_slice %arg3[%add3A_6] : memref<327680xi32, #tpu.memory_space<hbm>> -> memref<128xi32, #tpu.memory_space<hbm>>
    %dma_start3A_7 = tpu.memref_slice %arg3[%add3A_6] : memref<327680xi32, #tpu.memory_space<hbm>> -> memref<128xi32, #tpu.memory_space<hbm>>
    tpu.enqueue_dma source(%dma_start3A_7 : memref<128xi32, #tpu.memory_space<hbm>>) target(%arg6 : memref<128xi32, #tpu.memory_space<vmem>>) target_semaphore(%arg13 : memref<!tpu.dma_semaphore, #tpu.memory_space<semaphore_mem>>)
    %add3A_8 = arith.addi %mul3A_4, %multiple_of3A_5 : i32
    %dma_start3A_9 = tpu.memref_slice %arg4[%add3A_8] : memref<327680xi32, #tpu.memory_space<hbm>> -> memref<128xi32, #tpu.memory_space<hbm>>
    %dma_start3A_10 = tpu.memref_slice %arg4[%add3A_8] : memref<327680xi32, #tpu.memory_space<hbm>> -> memref<128xi32, #tpu.memory_space<hbm>>
    tpu.enqueue_dma source(%dma_start3A_10 : memref<128xi32, #tpu.memory_space<hbm>>) target(%arg8 : memref<128xi32, #tpu.memory_space<vmem>>) target_semaphore(%arg13 : memref<!tpu.dma_semaphore, #tpu.memory_space<semaphore_mem>>)
    %multiple_of3A_11 = arith.constant 128 : i32
    %multiple_of3A_12 = tpu.assume_multiple %multiple_of3A_11, 128 : i32
    %add3A_13 = arith.addi %mul3A_4, %multiple_of3A_12 : i32
    %dma_start3A_14 = tpu.memref_slice %arg3[%add3A_13] : memref<327680xi32, #tpu.memory_space<hbm>> -> memref<128xi32, #tpu.memory_space<hbm>>
    %dma_start3A_15 = tpu.memref_slice %arg3[%add3A_13] : memref<327680xi32, #tpu.memory_space<hbm>> -> memref<128xi32, #tpu.memory_space<hbm>>
    tpu.enqueue_dma source(%dma_start3A_15 : memref<128xi32, #tpu.memory_space<hbm>>) target(%arg7 : memref<128xi32, #tpu.memory_space<vmem>>) target_semaphore(%arg14 : memref<!tpu.dma_semaphore, #tpu.memory_space<semaphore_mem>>)
    %add3A_16 = arith.addi %mul3A_4, %multiple_of3A_12 : i32
    %dma_start3A_17 = tpu.memref_slice %arg4[%add3A_16] : memref<327680xi32, #tpu.memory_space<hbm>> -> memref<128xi32, #tpu.memory_space<hbm>>
    %dma_start3A_18 = tpu.memref_slice %arg4[%add3A_16] : memref<327680xi32, #tpu.memory_space<hbm>> -> memref<128xi32, #tpu.memory_space<hbm>>
    tpu.enqueue_dma source(%dma_start3A_18 : memref<128xi32, #tpu.memory_space<hbm>>) target(%arg9 : memref<128xi32, #tpu.memory_space<vmem>>) target_semaphore(%arg14 : memref<!tpu.dma_semaphore, #tpu.memory_space<semaphore_mem>>)
    %mul3A_19 = arith.constant 632 : i32
    %mul3A_20 = arith.muli %arg1, %mul3A_19 : i32
    %lt3A = arith.constant 15 : i32
    %lt3A_21 = arith.cmpi slt, %arg1, %lt3A : i32
    %convert_element_type3A = arith.extui %lt3A_21 : i1 to i32
    %cond3A = arith.constant 0 : i32
    %cond3A_22 = arith.cmpi ne, %convert_element_type3A, %cond3A : i32
    scf.if %cond3A_22 {
      "tpu.region"() ({
        %run_scoped3A = tpu.sem_alloc : memref<!tpu.dma_semaphore, #tpu.memory_space<semaphore_mem>>
        %dma_start3A_50 = arith.constant 0 : i32
        %dma_start3A_51 = tpu.memref_slice %arg12[%mul3A_20, %dma_start3A_50] : memref<10128x128xf32, #tpu.memory_space<vmem_shared>> -> memref<632x128xf32, #tpu.memory_space<vmem_shared>>
        %dma_start3A_52 = arith.constant 0 : i32
        %dma_start3A_53 = tpu.memref_slice %arg2[%mul3A_20, %dma_start3A_52] : memref<10000x128xf32, #tpu.memory_space<hbm>> -> memref<632x128xf32, #tpu.memory_space<hbm>>
        tpu.enqueue_dma source(%dma_start3A_53 : memref<632x128xf32, #tpu.memory_space<hbm>>) target(%dma_start3A_51 : memref<632x128xf32, #tpu.memory_space<vmem_shared>>) target_semaphore(%run_scoped3A : memref<!tpu.dma_semaphore, #tpu.memory_space<semaphore_mem>>)
        %dma_wait3A_54 = arith.constant 0 : i32
        %dma_wait3A_55 = tpu.memref_slice %arg12[%mul3A_20, %dma_wait3A_54] : memref<10128x128xf32, #tpu.memory_space<vmem_shared>> -> memref<632x128xf32, #tpu.memory_space<vmem_shared>>
        %dma_wait3A_56 = arith.constant 0 : i32
        %dma_wait3A_57 = tpu.memref_slice %arg2[%mul3A_20, %dma_wait3A_56] : memref<10000x128xf32, #tpu.memory_space<hbm>> -> memref<632x128xf32, #tpu.memory_space<hbm>>
        tpu.wait_dma2 semaphore(%run_scoped3A : memref<!tpu.dma_semaphore, #tpu.memory_space<semaphore_mem>>) src(%dma_wait3A_57 : memref<632x128xf32, #tpu.memory_space<hbm>>) dst(%dma_wait3A_55 : memref<632x128xf32, #tpu.memory_space<vmem_shared>>)
        tpu.yield
      }) : () -> ()
    } else {
    }
    %eq3A = arith.constant 15 : i32
    %eq3A_23 = arith.cmpi eq, %arg1, %eq3A : i32
    %convert_element_type3A_24 = arith.extui %eq3A_23 : i1 to i32
    %cond3A_25 = arith.constant 0 : i32
    %cond3A_26 = arith.cmpi ne, %convert_element_type3A_24, %cond3A_25 : i32
    scf.if %cond3A_26 {
      "tpu.region"() ({
        %run_scoped3A = tpu.sem_alloc : memref<!tpu.dma_semaphore, #tpu.memory_space<semaphore_mem>>
        %dma_start3A_50 = arith.constant 0 : i32
        %dma_start3A_51 = tpu.memref_slice %arg12[%mul3A_20, %dma_start3A_50] : memref<10128x128xf32, #tpu.memory_space<vmem_shared>> -> memref<520x128xf32, #tpu.memory_space<vmem_shared>>
        %dma_start3A_52 = arith.constant 0 : i32
        %dma_start3A_53 = tpu.memref_slice %arg2[%mul3A_20, %dma_start3A_52] : memref<10000x128xf32, #tpu.memory_space<hbm>> -> memref<520x128xf32, #tpu.memory_space<hbm>>
        tpu.enqueue_dma source(%dma_start3A_53 : memref<520x128xf32, #tpu.memory_space<hbm>>) target(%dma_start3A_51 : memref<520x128xf32, #tpu.memory_space<vmem_shared>>) target_semaphore(%run_scoped3A : memref<!tpu.dma_semaphore, #tpu.memory_space<semaphore_mem>>)
        %dma_wait3A_54 = arith.constant 0 : i32
        %dma_wait3A_55 = tpu.memref_slice %arg12[%mul3A_20, %dma_wait3A_54] : memref<10128x128xf32, #tpu.memory_space<vmem_shared>> -> memref<520x128xf32, #tpu.memory_space<vmem_shared>>
        %dma_wait3A_56 = arith.constant 0 : i32
        %dma_wait3A_57 = tpu.memref_slice %arg2[%mul3A_20, %dma_wait3A_56] : memref<10000x128xf32, #tpu.memory_space<hbm>> -> memref<520x128xf32, #tpu.memory_space<hbm>>
        tpu.wait_dma2 semaphore(%run_scoped3A : memref<!tpu.dma_semaphore, #tpu.memory_space<semaphore_mem>>) src(%dma_wait3A_57 : memref<520x128xf32, #tpu.memory_space<hbm>>) dst(%dma_wait3A_55 : memref<520x128xf32, #tpu.memory_space<vmem_shared>>)
        tpu.yield
      }) : () -> ()
    } else {
    }
    %dma_wait3A = tpu.memref_slice %arg3[%mul3A_4] : memref<327680xi32, #tpu.memory_space<hbm>> -> memref<128xi32, #tpu.memory_space<hbm>>
    %dma_wait3A_27 = tpu.memref_slice %arg3[%mul3A_4] : memref<327680xi32, #tpu.memory_space<hbm>> -> memref<128xi32, #tpu.memory_space<hbm>>
    tpu.wait_dma2 semaphore(%arg13 : memref<!tpu.dma_semaphore, #tpu.memory_space<semaphore_mem>>) src(%dma_wait3A_27 : memref<128xi32, #tpu.memory_space<hbm>>) dst(%arg6 : memref<128xi32, #tpu.memory_space<vmem>>)
    %dma_wait3A_28 = tpu.memref_slice %arg4[%mul3A_4] : memref<327680xi32, #tpu.memory_space<hbm>> -> memref<128xi32, #tpu.memory_space<hbm>>
    %dma_wait3A_29 = tpu.memref_slice %arg4[%mul3A_4] : memref<327680xi32, #tpu.memory_space<hbm>> -> memref<128xi32, #tpu.memory_space<hbm>>
    tpu.wait_dma2 semaphore(%arg13 : memref<!tpu.dma_semaphore, #tpu.memory_space<semaphore_mem>>) src(%dma_wait3A_29 : memref<128xi32, #tpu.memory_space<hbm>>) dst(%arg8 : memref<128xi32, #tpu.memory_space<vmem>>)
    %barrier3A = arith.constant 0 : index
    tpu.barrier barrier_id(%barrier3A)
    %dma_start3A_30 = arith.constant 0 : i32
    %dma_start3A_31 = arith.constant 0 : i32
    %dma_start3A_32 = tpu.memref_slice %arg2[%dma_start3A_30, %dma_start3A_31] : memref<10000x128xf32, #tpu.memory_space<hbm>> -> memref<10000x128xf32, #tpu.memory_space<hbm>>
    tpu.enqueue_indirect_dma source(%dma_start3A_32 : memref<10000x128xf32, #tpu.memory_space<hbm>>) target(%arg10 : memref<128x128xf32, #tpu.memory_space<vmem>>) offsets(%arg6 : memref<128xi32, #tpu.memory_space<vmem>>) semaphore(%arg15 : memref<!tpu.dma_semaphore, #tpu.memory_space<semaphore_mem>>)
    %scan3A = arith.constant 0 : i32
    %scan3A_33 = arith.constant 0 : i32
    %scan3A_34 = arith.constant 40 : i32
    %scan3A_35 = arith.addi %scan3A_33, %scan3A_34 : i32
    %scan3A_36 = arith.constant 1 : i32
    %scan3A_37 = scf.for %scan3A_50 = %scan3A_33 to %scan3A_35 step %scan3A_36 iter_args(%scan3A_51 = %scan3A) -> (i32)  : i32 {
      %mul3A_52 = arith.constant 2 : i32
      %mul3A_53 = arith.muli %mul3A_52, %scan3A_50 : i32
      %dma_wait3A_54 = arith.constant 0 : i32
      %dma_wait3A_55 = arith.constant 0 : i32
      %dma_wait3A_56 = tpu.memref_slice %arg2[%dma_wait3A_54, %dma_wait3A_55] : memref<10000x128xf32, #tpu.memory_space<hbm>> -> memref<10000x128xf32, #tpu.memory_space<hbm>>
      tpu.wait_indirect_dma semaphore(%arg15 : memref<!tpu.dma_semaphore, #tpu.memory_space<semaphore_mem>>) src(%dma_wait3A_56 : memref<10000x128xf32, #tpu.memory_space<hbm>>) dst(%arg10 : memref<128x128xf32, #tpu.memory_space<vmem>>)
      %dma_wait3A_57 = tpu.memref_slice %arg3[%mul3A_4] : memref<327680xi32, #tpu.memory_space<hbm>> -> memref<128xi32, #tpu.memory_space<hbm>>
      %dma_wait3A_58 = tpu.memref_slice %arg3[%mul3A_4] : memref<327680xi32, #tpu.memory_space<hbm>> -> memref<128xi32, #tpu.memory_space<hbm>>
      tpu.wait_dma2 semaphore(%arg14 : memref<!tpu.dma_semaphore, #tpu.memory_space<semaphore_mem>>) src(%dma_wait3A_58 : memref<128xi32, #tpu.memory_space<hbm>>) dst(%arg7 : memref<128xi32, #tpu.memory_space<vmem>>)
      %dma_wait3A_59 = tpu.memref_slice %arg4[%mul3A_4] : memref<327680xi32, #tpu.memory_space<hbm>> -> memref<128xi32, #tpu.memory_space<hbm>>
      %dma_wait3A_60 = tpu.memref_slice %arg4[%mul3A_4] : memref<327680xi32, #tpu.memory_space<hbm>> -> memref<128xi32, #tpu.memory_space<hbm>>
      tpu.wait_dma2 semaphore(%arg14 : memref<!tpu.dma_semaphore, #tpu.memory_space<semaphore_mem>>) src(%dma_wait3A_60 : memref<128xi32, #tpu.memory_space<hbm>>) dst(%arg9 : memref<128xi32, #tpu.memory_space<vmem>>)
      %dma_start3A_61 = arith.constant 0 : i32
      %dma_start3A_62 = arith.constant 0 : i32
      %dma_start3A_63 = tpu.memref_slice %arg2[%dma_start3A_61, %dma_start3A_62] : memref<10000x128xf32, #tpu.memory_space<hbm>> -> memref<10000x128xf32, #tpu.memory_space<hbm>>
      tpu.enqueue_indirect_dma source(%dma_start3A_63 : memref<10000x128xf32, #tpu.memory_space<hbm>>) target(%arg11 : memref<128x128xf32, #tpu.memory_space<vmem>>) offsets(%arg7 : memref<128xi32, #tpu.memory_space<vmem>>) semaphore(%arg16 : memref<!tpu.dma_semaphore, #tpu.memory_space<semaphore_mem>>)
      %dma_start3A_64 = arith.constant 0 : i32
      %dma_start3A_65 = arith.constant 0 : i32
      %dma_start3A_66 = tpu.memref_slice %arg12[%dma_start3A_64, %dma_start3A_65] : memref<10128x128xf32, #tpu.memory_space<vmem_shared>> -> memref<10128x128xf32, #tpu.memory_space<vmem_shared>>
      tpu.enqueue_indirect_dma source(%arg10 : memref<128x128xf32, #tpu.memory_space<vmem>>) target(%dma_start3A_66 : memref<10128x128xf32, #tpu.memory_space<vmem_shared>>) offsets(%arg8 : memref<128xi32, #tpu.memory_space<vmem>>) semaphore(%arg17 : memref<!tpu.dma_semaphore, #tpu.memory_space<semaphore_mem>>) {add = true}
      %dma_wait3A_67 = arith.constant 0 : i32
      %dma_wait3A_68 = arith.constant 0 : i32
      %dma_wait3A_69 = tpu.memref_slice %arg2[%dma_wait3A_67, %dma_wait3A_68] : memref<10000x128xf32, #tpu.memory_space<hbm>> -> memref<10000x128xf32, #tpu.memory_space<hbm>>
      tpu.wait_indirect_dma semaphore(%arg16 : memref<!tpu.dma_semaphore, #tpu.memory_space<semaphore_mem>>) src(%dma_wait3A_69 : memref<10000x128xf32, #tpu.memory_space<hbm>>) dst(%arg11 : memref<128x128xf32, #tpu.memory_space<vmem>>)
      %dma_start3A_70 = arith.constant 0 : i32
      %dma_start3A_71 = arith.constant 0 : i32
      %dma_start3A_72 = tpu.memref_slice %arg12[%dma_start3A_70, %dma_start3A_71] : memref<10128x128xf32, #tpu.memory_space<vmem_shared>> -> memref<10128x128xf32, #tpu.memory_space<vmem_shared>>
      tpu.enqueue_indirect_dma source(%arg11 : memref<128x128xf32, #tpu.memory_space<vmem>>) target(%dma_start3A_72 : memref<10128x128xf32, #tpu.memory_space<vmem_shared>>) offsets(%arg9 : memref<128xi32, #tpu.memory_space<vmem>>) semaphore(%arg18 : memref<!tpu.dma_semaphore, #tpu.memory_space<semaphore_mem>>) {add = true}
      %dma_wait3A_73 = arith.constant 0 : i32
      %dma_wait3A_74 = arith.constant 0 : i32
      %dma_wait3A_75 = tpu.memref_slice %arg12[%dma_wait3A_73, %dma_wait3A_74] : memref<10128x128xf32, #tpu.memory_space<vmem_shared>> -> memref<10128x128xf32, #tpu.memory_space<vmem_shared>>
      tpu.wait_indirect_dma semaphore(%arg17 : memref<!tpu.dma_semaphore, #tpu.memory_space<semaphore_mem>>) src(%arg10 : memref<128x128xf32, #tpu.memory_space<vmem>>) dst(%dma_wait3A_75 : memref<10128x128xf32, #tpu.memory_space<vmem_shared>>)
      %add3A_76 = arith.constant 2 : i32
      %add3A_77 = arith.addi %mul3A_53, %add3A_76 : i32
      %lt3A_78 = arith.constant 80 : i32
      %lt3A_79 = arith.cmpi slt, %add3A_77, %lt3A_78 : i32
      %convert_element_type3A_80 = arith.extui %lt3A_79 : i1 to i32
      %cond3A_81 = arith.constant 0 : i32
      %cond3A_82 = arith.cmpi ne, %convert_element_type3A_80, %cond3A_81 : i32
      scf.if %cond3A_82 {
        %add3A_94 = arith.constant 2 : i32
        %add3A_95 = arith.addi %mul3A_53, %add3A_94 : i32
        %mul3A_96 = arith.constant 128 : i32
        %mul3A_97 = arith.muli %add3A_95, %mul3A_96 : i32
        %multiple_of3A_98 = tpu.assume_multiple %mul3A_97, 128 : i32
        %add3A_99 = arith.addi %mul3A_4, %multiple_of3A_98 : i32
        %dma_start3A_100 = tpu.memref_slice %arg3[%add3A_99] : memref<327680xi32, #tpu.memory_space<hbm>> -> memref<128xi32, #tpu.memory_space<hbm>>
        %dma_start3A_101 = tpu.memref_slice %arg3[%add3A_99] : memref<327680xi32, #tpu.memory_space<hbm>> -> memref<128xi32, #tpu.memory_space<hbm>>
        tpu.enqueue_dma source(%dma_start3A_101 : memref<128xi32, #tpu.memory_space<hbm>>) target(%arg6 : memref<128xi32, #tpu.memory_space<vmem>>) target_semaphore(%arg13 : memref<!tpu.dma_semaphore, #tpu.memory_space<semaphore_mem>>)
        %add3A_102 = arith.addi %mul3A_4, %multiple_of3A_98 : i32
        %dma_start3A_103 = tpu.memref_slice %arg4[%add3A_102] : memref<327680xi32, #tpu.memory_space<hbm>> -> memref<128xi32, #tpu.memory_space<hbm>>
        %dma_start3A_104 = tpu.memref_slice %arg4[%add3A_102] : memref<327680xi32, #tpu.memory_space<hbm>> -> memref<128xi32, #tpu.memory_space<hbm>>
        tpu.enqueue_dma source(%dma_start3A_104 : memref<128xi32, #tpu.memory_space<hbm>>) target(%arg8 : memref<128xi32, #tpu.memory_space<vmem>>) target_semaphore(%arg13 : memref<!tpu.dma_semaphore, #tpu.memory_space<semaphore_mem>>)
        %dma_wait3A_105 = tpu.memref_slice %arg3[%mul3A_4] : memref<327680xi32, #tpu.memory_space<hbm>> -> memref<128xi32, #tpu.memory_space<hbm>>
        %dma_wait3A_106 = tpu.memref_slice %arg3[%mul3A_4] : memref<327680xi32, #tpu.memory_space<hbm>> -> memref<128xi32, #tpu.memory_space<hbm>>
        tpu.wait_dma2 semaphore(%arg13 : memref<!tpu.dma_semaphore, #tpu.memory_space<semaphore_mem>>) src(%dma_wait3A_106 : memref<128xi32, #tpu.memory_space<hbm>>) dst(%arg6 : memref<128xi32, #tpu.memory_space<vmem>>)
        %dma_wait3A_107 = tpu.memref_slice %arg4[%mul3A_4] : memref<327680xi32, #tpu.memory_space<hbm>> -> memref<128xi32, #tpu.memory_space<hbm>>
        %dma_wait3A_108 = tpu.memref_slice %arg4[%mul3A_4] : memref<327680xi32, #tpu.memory_space<hbm>> -> memref<128xi32, #tpu.memory_space<hbm>>
        tpu.wait_dma2 semaphore(%arg13 : memref<!tpu.dma_semaphore, #tpu.memory_space<semaphore_mem>>) src(%dma_wait3A_108 : memref<128xi32, #tpu.memory_space<hbm>>) dst(%arg8 : memref<128xi32, #tpu.memory_space<vmem>>)
        %dma_start3A_109 = arith.constant 0 : i32
        %dma_start3A_110 = arith.constant 0 : i32
        %dma_start3A_111 = tpu.memref_slice %arg2[%dma_start3A_109, %dma_start3A_110] : memref<10000x128xf32, #tpu.memory_space<hbm>> -> memref<10000x128xf32, #tpu.memory_space<hbm>>
        tpu.enqueue_indirect_dma source(%dma_start3A_111 : memref<10000x128xf32, #tpu.memory_space<hbm>>) target(%arg10 : memref<128x128xf32, #tpu.memory_space<vmem>>) offsets(%arg6 : memref<128xi32, #tpu.memory_space<vmem>>) semaphore(%arg15 : memref<!tpu.dma_semaphore, #tpu.memory_space<semaphore_mem>>)
      } else {
      }
      %dma_wait3A_83 = arith.constant 0 : i32
      %dma_wait3A_84 = arith.constant 0 : i32
      %dma_wait3A_85 = tpu.memref_slice %arg12[%dma_wait3A_83, %dma_wait3A_84] : memref<10128x128xf32, #tpu.memory_space<vmem_shared>> -> memref<10128x128xf32, #tpu.memory_space<vmem_shared>>
      tpu.wait_indirect_dma semaphore(%arg18 : memref<!tpu.dma_semaphore, #tpu.memory_space<semaphore_mem>>) src(%arg11 : memref<128x128xf32, #tpu.memory_space<vmem>>) dst(%dma_wait3A_85 : memref<10128x128xf32, #tpu.memory_space<vmem_shared>>)
      %add3A_86 = arith.constant 3 : i32
      %add3A_87 = arith.addi %mul3A_53, %add3A_86 : i32
      %lt3A_88 = arith.constant 80 : i32
      %lt3A_89 = arith.cmpi slt, %add3A_87, %lt3A_88 : i32
      %convert_element_type3A_90 = arith.extui %lt3A_89 : i1 to i32
      %cond3A_91 = arith.constant 0 : i32
      %cond3A_92 = arith.cmpi ne, %convert_element_type3A_90, %cond3A_91 : i32
      scf.if %cond3A_92 {
        %add3A_94 = arith.constant 3 : i32
        %add3A_95 = arith.addi %mul3A_53, %add3A_94 : i32
        %mul3A_96 = arith.constant 128 : i32
        %mul3A_97 = arith.muli %add3A_95, %mul3A_96 : i32
        %multiple_of3A_98 = tpu.assume_multiple %mul3A_97, 128 : i32
        %add3A_99 = arith.addi %mul3A_4, %multiple_of3A_98 : i32
        %dma_start3A_100 = tpu.memref_slice %arg3[%add3A_99] : memref<327680xi32, #tpu.memory_space<hbm>> -> memref<128xi32, #tpu.memory_space<hbm>>
        %dma_start3A_101 = tpu.memref_slice %arg3[%add3A_99] : memref<327680xi32, #tpu.memory_space<hbm>> -> memref<128xi32, #tpu.memory_space<hbm>>
        tpu.enqueue_dma source(%dma_start3A_101 : memref<128xi32, #tpu.memory_space<hbm>>) target(%arg7 : memref<128xi32, #tpu.memory_space<vmem>>) target_semaphore(%arg14 : memref<!tpu.dma_semaphore, #tpu.memory_space<semaphore_mem>>)
        %add3A_102 = arith.addi %mul3A_4, %multiple_of3A_98 : i32
        %dma_start3A_103 = tpu.memref_slice %arg4[%add3A_102] : memref<327680xi32, #tpu.memory_space<hbm>> -> memref<128xi32, #tpu.memory_space<hbm>>
        %dma_start3A_104 = tpu.memref_slice %arg4[%add3A_102] : memref<327680xi32, #tpu.memory_space<hbm>> -> memref<128xi32, #tpu.memory_space<hbm>>
        tpu.enqueue_dma source(%dma_start3A_104 : memref<128xi32, #tpu.memory_space<hbm>>) target(%arg9 : memref<128xi32, #tpu.memory_space<vmem>>) target_semaphore(%arg14 : memref<!tpu.dma_semaphore, #tpu.memory_space<semaphore_mem>>)
      } else {
      }
      %scan3A_93 = arith.constant 0 : i32
      scf.yield %scan3A_93 : i32
    }
    %scan3A_38 = arith.constant 40 : i32
    %barrier3A_39 = arith.constant 0 : index
    tpu.barrier barrier_id(%barrier3A_39)
    %lt3A_40 = arith.constant 15 : i32
    %lt3A_41 = arith.cmpi slt, %arg1, %lt3A_40 : i32
    %convert_element_type3A_42 = arith.extui %lt3A_41 : i1 to i32
    %cond3A_43 = arith.constant 0 : i32
    %cond3A_44 = arith.cmpi ne, %convert_element_type3A_42, %cond3A_43 : i32
    scf.if %cond3A_44 {
      "tpu.region"() ({
        %run_scoped3A = tpu.sem_alloc : memref<!tpu.dma_semaphore, #tpu.memory_space<semaphore_mem>>
        %dma_start3A_50 = arith.constant 0 : i32
        %dma_start3A_51 = tpu.memref_slice %arg5[%arg0, %mul3A_20, %dma_start3A_50] : memref<2x10000x128xf32, #tpu.memory_space<hbm>> -> memref<1x632x128xf32, #tpu.memory_space<hbm>>
        %dma_start3A_52 = tpu.memref_squeeze %dma_start3A_51 : memref<1x632x128xf32, #tpu.memory_space<hbm>> -> memref<632x128xf32, #tpu.memory_space<hbm>>
        %dma_start3A_53 = arith.constant 0 : i32
        %dma_start3A_54 = tpu.memref_slice %arg12[%mul3A_20, %dma_start3A_53] : memref<10128x128xf32, #tpu.memory_space<vmem_shared>> -> memref<632x128xf32, #tpu.memory_space<vmem_shared>>
        tpu.enqueue_dma source(%dma_start3A_54 : memref<632x128xf32, #tpu.memory_space<vmem_shared>>) target(%dma_start3A_52 : memref<632x128xf32, #tpu.memory_space<hbm>>) target_semaphore(%run_scoped3A : memref<!tpu.dma_semaphore, #tpu.memory_space<semaphore_mem>>)
        %dma_wait3A_55 = arith.constant 0 : i32
        %dma_wait3A_56 = tpu.memref_slice %arg5[%arg0, %mul3A_20, %dma_wait3A_55] : memref<2x10000x128xf32, #tpu.memory_space<hbm>> -> memref<1x632x128xf32, #tpu.memory_space<hbm>>
        %dma_wait3A_57 = tpu.memref_squeeze %dma_wait3A_56 : memref<1x632x128xf32, #tpu.memory_space<hbm>> -> memref<632x128xf32, #tpu.memory_space<hbm>>
        %dma_wait3A_58 = arith.constant 0 : i32
        %dma_wait3A_59 = tpu.memref_slice %arg12[%mul3A_20, %dma_wait3A_58] : memref<10128x128xf32, #tpu.memory_space<vmem_shared>> -> memref<632x128xf32, #tpu.memory_space<vmem_shared>>
        tpu.wait_dma2 semaphore(%run_scoped3A : memref<!tpu.dma_semaphore, #tpu.memory_space<semaphore_mem>>) src(%dma_wait3A_59 : memref<632x128xf32, #tpu.memory_space<vmem_shared>>) dst(%dma_wait3A_57 : memref<632x128xf32, #tpu.memory_space<hbm>>)
        tpu.yield
      }) : () -> ()
    } else {
    }
    %eq3A_45 = arith.constant 15 : i32
    %eq3A_46 = arith.cmpi eq, %arg1, %eq3A_45 : i32
    %convert_element_type3A_47 = arith.extui %eq3A_46 : i1 to i32
    %cond3A_48 = arith.constant 0 : i32
    %cond3A_49 = arith.cmpi ne, %convert_element_type3A_47, %cond3A_48 : i32
    scf.if %cond3A_49 {
      "tpu.region"() ({
        %run_scoped3A = tpu.sem_alloc : memref<!tpu.dma_semaphore, #tpu.memory_space<semaphore_mem>>
        %dma_start3A_50 = arith.constant 0 : i32
        %dma_start3A_51 = tpu.memref_slice %arg5[%arg0, %mul3A_20, %dma_start3A_50] : memref<2x10000x128xf32, #tpu.memory_space<hbm>> -> memref<1x520x128xf32, #tpu.memory_space<hbm>>
        %dma_start3A_52 = tpu.memref_squeeze %dma_start3A_51 : memref<1x520x128xf32, #tpu.memory_space<hbm>> -> memref<520x128xf32, #tpu.memory_space<hbm>>
        %dma_start3A_53 = arith.constant 0 : i32
        %dma_start3A_54 = tpu.memref_slice %arg12[%mul3A_20, %dma_start3A_53] : memref<10128x128xf32, #tpu.memory_space<vmem_shared>> -> memref<520x128xf32, #tpu.memory_space<vmem_shared>>
        tpu.enqueue_dma source(%dma_start3A_54 : memref<520x128xf32, #tpu.memory_space<vmem_shared>>) target(%dma_start3A_52 : memref<520x128xf32, #tpu.memory_space<hbm>>) target_semaphore(%run_scoped3A : memref<!tpu.dma_semaphore, #tpu.memory_space<semaphore_mem>>)
        %dma_wait3A_55 = arith.constant 0 : i32
        %dma_wait3A_56 = tpu.memref_slice %arg5[%arg0, %mul3A_20, %dma_wait3A_55] : memref<2x10000x128xf32, #tpu.memory_space<hbm>> -> memref<1x520x128xf32, #tpu.memory_space<hbm>>
        %dma_wait3A_57 = tpu.memref_squeeze %dma_wait3A_56 : memref<1x520x128xf32, #tpu.memory_space<hbm>> -> memref<520x128xf32, #tpu.memory_space<hbm>>
        %dma_wait3A_58 = arith.constant 0 : i32
        %dma_wait3A_59 = tpu.memref_slice %arg12[%mul3A_20, %dma_wait3A_58] : memref<10128x128xf32, #tpu.memory_space<vmem_shared>> -> memref<520x128xf32, #tpu.memory_space<vmem_shared>>
        tpu.wait_dma2 semaphore(%run_scoped3A : memref<!tpu.dma_semaphore, #tpu.memory_space<semaphore_mem>>) src(%dma_wait3A_59 : memref<520x128xf32, #tpu.memory_space<vmem_shared>>) dst(%dma_wait3A_57 : memref<520x128xf32, #tpu.memory_space<hbm>>)
        tpu.yield
      }) : () -> ()
    } else {
    }
    return
  }
}

#map = affine_map<(d0, d1) -> (0, 0)>
#map1 = affine_map<(d0, d1) -> (0)>
#map2 = affine_map<(d0, d1) -> (0, 0, 0)>
module attributes {stable_mosaic.version = 14 : i64} {
  func.func @propagate(%arg0: i32, %arg1: i32, %arg2: memref<10000x128xf32, #tpu.memory_space<hbm>>, %arg3: memref<327680xi32, #tpu.memory_space<hbm>>, %arg4: memref<327680xi32, #tpu.memory_space<hbm>>, %arg5: memref<2x10000x128xf32, #tpu.memory_space<hbm>>, %arg6: memref<128xi32, #tpu.memory_space<vmem>>, %arg7: memref<128xi32, #tpu.memory_space<vmem>>, %arg8: memref<128xi32, #tpu.memory_space<vmem>>, %arg9: memref<128xi32, #tpu.memory_space<vmem>>, %arg10: memref<128x128xf32, #tpu.memory_space<vmem>>, %arg11: memref<128x128xf32, #tpu.memory_space<vmem>>, %arg12: memref<10128x128xf32, #tpu.memory_space<vmem_shared>>, %arg13: memref<!tpu.dma_semaphore, #tpu.memory_space<semaphore_mem>>, %arg14: memref<!tpu.dma_semaphore, #tpu.memory_space<semaphore_mem>>, %arg15: memref<!tpu.dma_semaphore, #tpu.memory_space<semaphore_mem>>, %arg16: memref<!tpu.dma_semaphore, #tpu.memory_space<semaphore_mem>>, %arg17: memref<!tpu.dma_semaphore, #tpu.memory_space<semaphore_mem>>, %arg18: memref<!tpu.dma_semaphore, #tpu.memory_space<semaphore_mem>>) attributes {dimension_semantics = [#tpu.dimension_semantics<core_parallel>, #tpu.dimension_semantics<subcore_parallel>], iteration_bounds = array<i64: 2, 16>, scalar_prefetch = 0 : i64, scratch_operands = 13 : i64, tpu.core_type = #tpu.core_type<sc_vector_subcore>, window_params = [{transform_indices = #map}, {transform_indices = #map1}, {transform_indices = #map1}, {transform_indices = #map2}]} {
    %mul3A = arith.constant 16 : i32
    %mul3A_0 = arith.muli %arg0, %mul3A : i32
    %add3A = arith.addi %mul3A_0, %arg1 : i32
    %mul3A_1 = arith.constant 80 : i32
    %mul3A_2 = arith.muli %add3A, %mul3A_1 : i32
    %mul3A_3 = arith.constant 128 : i32
    %mul3A_4 = arith.muli %mul3A_2, %mul3A_3 : i32
    %multiple_of3A = arith.constant 0 : i32
    %multiple_of3A_5 = tpu.assume_multiple %multiple_of3A, 128 : i32
    %add3A_6 = arith.addi %mul3A_4, %multiple_of3A_5 : i32
    %dma_start3A = tpu.memref_slice %arg3[%add3A_6] : memref<327680xi32, #tpu.memory_space<hbm>> -> memref<128xi32, #tpu.memory_space<hbm>>
    %dma_start3A_7 = tpu.memref_slice %arg3[%add3A_6] : memref<327680xi32, #tpu.memory_space<hbm>> -> memref<128xi32, #tpu.memory_space<hbm>>
    tpu.enqueue_dma source(%dma_start3A_7 : memref<128xi32, #tpu.memory_space<hbm>>) target(%arg6 : memref<128xi32, #tpu.memory_space<vmem>>) target_semaphore(%arg13 : memref<!tpu.dma_semaphore, #tpu.memory_space<semaphore_mem>>)
    %add3A_8 = arith.addi %mul3A_4, %multiple_of3A_5 : i32
    %dma_start3A_9 = tpu.memref_slice %arg4[%add3A_8] : memref<327680xi32, #tpu.memory_space<hbm>> -> memref<128xi32, #tpu.memory_space<hbm>>
    %dma_start3A_10 = tpu.memref_slice %arg4[%add3A_8] : memref<327680xi32, #tpu.memory_space<hbm>> -> memref<128xi32, #tpu.memory_space<hbm>>
    tpu.enqueue_dma source(%dma_start3A_10 : memref<128xi32, #tpu.memory_space<hbm>>) target(%arg8 : memref<128xi32, #tpu.memory_space<vmem>>) target_semaphore(%arg13 : memref<!tpu.dma_semaphore, #tpu.memory_space<semaphore_mem>>)
    %multiple_of3A_11 = arith.constant 128 : i32
    %multiple_of3A_12 = tpu.assume_multiple %multiple_of3A_11, 128 : i32
    %add3A_13 = arith.addi %mul3A_4, %multiple_of3A_12 : i32
    %dma_start3A_14 = tpu.memref_slice %arg3[%add3A_13] : memref<327680xi32, #tpu.memory_space<hbm>> -> memref<128xi32, #tpu.memory_space<hbm>>
    %dma_start3A_15 = tpu.memref_slice %arg3[%add3A_13] : memref<327680xi32, #tpu.memory_space<hbm>> -> memref<128xi32, #tpu.memory_space<hbm>>
    tpu.enqueue_dma source(%dma_start3A_15 : memref<128xi32, #tpu.memory_space<hbm>>) target(%arg7 : memref<128xi32, #tpu.memory_space<vmem>>) target_semaphore(%arg14 : memref<!tpu.dma_semaphore, #tpu.memory_space<semaphore_mem>>)
    %add3A_16 = arith.addi %mul3A_4, %multiple_of3A_12 : i32
    %dma_start3A_17 = tpu.memref_slice %arg4[%add3A_16] : memref<327680xi32, #tpu.memory_space<hbm>> -> memref<128xi32, #tpu.memory_space<hbm>>
    %dma_start3A_18 = tpu.memref_slice %arg4[%add3A_16] : memref<327680xi32, #tpu.memory_space<hbm>> -> memref<128xi32, #tpu.memory_space<hbm>>
    tpu.enqueue_dma source(%dma_start3A_18 : memref<128xi32, #tpu.memory_space<hbm>>) target(%arg9 : memref<128xi32, #tpu.memory_space<vmem>>) target_semaphore(%arg14 : memref<!tpu.dma_semaphore, #tpu.memory_space<semaphore_mem>>)
    %mul3A_19 = arith.constant 632 : i32
    %mul3A_20 = arith.muli %arg1, %mul3A_19 : i32
    %lt3A = arith.constant 15 : i32
    %lt3A_21 = arith.cmpi slt, %arg1, %lt3A : i32
    %convert_element_type3A = arith.extui %lt3A_21 : i1 to i32
    %cond3A = arith.constant 0 : i32
    %cond3A_22 = arith.cmpi ne, %convert_element_type3A, %cond3A : i32
    scf.if %cond3A_22 {
      "tpu.region"() ({
        %run_scoped3A = tpu.sem_alloc : memref<!tpu.dma_semaphore, #tpu.memory_space<semaphore_mem>>
        %dma_start3A_50 = arith.constant 0 : i32
        %dma_start3A_51 = tpu.memref_slice %arg12[%mul3A_20, %dma_start3A_50] : memref<10128x128xf32, #tpu.memory_space<vmem_shared>> -> memref<632x128xf32, #tpu.memory_space<vmem_shared>>
        %dma_start3A_52 = arith.constant 0 : i32
        %dma_start3A_53 = tpu.memref_slice %arg2[%mul3A_20, %dma_start3A_52] : memref<10000x128xf32, #tpu.memory_space<hbm>> -> memref<632x128xf32, #tpu.memory_space<hbm>>
        tpu.enqueue_dma source(%dma_start3A_53 : memref<632x128xf32, #tpu.memory_space<hbm>>) target(%dma_start3A_51 : memref<632x128xf32, #tpu.memory_space<vmem_shared>>) target_semaphore(%run_scoped3A : memref<!tpu.dma_semaphore, #tpu.memory_space<semaphore_mem>>)
        %dma_wait3A_54 = arith.constant 0 : i32
        %dma_wait3A_55 = tpu.memref_slice %arg12[%mul3A_20, %dma_wait3A_54] : memref<10128x128xf32, #tpu.memory_space<vmem_shared>> -> memref<632x128xf32, #tpu.memory_space<vmem_shared>>
        %dma_wait3A_56 = arith.constant 0 : i32
        %dma_wait3A_57 = tpu.memref_slice %arg2[%mul3A_20, %dma_wait3A_56] : memref<10000x128xf32, #tpu.memory_space<hbm>> -> memref<632x128xf32, #tpu.memory_space<hbm>>
        tpu.wait_dma2 semaphore(%run_scoped3A : memref<!tpu.dma_semaphore, #tpu.memory_space<semaphore_mem>>) src(%dma_wait3A_57 : memref<632x128xf32, #tpu.memory_space<hbm>>) dst(%dma_wait3A_55 : memref<632x128xf32, #tpu.memory_space<vmem_shared>>)
        tpu.yield
      }) : () -> ()
    } else {
    }
    %eq3A = arith.constant 15 : i32
    %eq3A_23 = arith.cmpi eq, %arg1, %eq3A : i32
    %convert_element_type3A_24 = arith.extui %eq3A_23 : i1 to i32
    %cond3A_25 = arith.constant 0 : i32
    %cond3A_26 = arith.cmpi ne, %convert_element_type3A_24, %cond3A_25 : i32
    scf.if %cond3A_26 {
      "tpu.region"() ({
        %run_scoped3A = tpu.sem_alloc : memref<!tpu.dma_semaphore, #tpu.memory_space<semaphore_mem>>
        %dma_start3A_50 = arith.constant 0 : i32
        %dma_start3A_51 = tpu.memref_slice %arg12[%mul3A_20, %dma_start3A_50] : memref<10128x128xf32, #tpu.memory_space<vmem_shared>> -> memref<520x128xf32, #tpu.memory_space<vmem_shared>>
        %dma_start3A_52 = arith.constant 0 : i32
        %dma_start3A_53 = tpu.memref_slice %arg2[%mul3A_20, %dma_start3A_52] : memref<10000x128xf32, #tpu.memory_space<hbm>> -> memref<520x128xf32, #tpu.memory_space<hbm>>
        tpu.enqueue_dma source(%dma_start3A_53 : memref<520x128xf32, #tpu.memory_space<hbm>>) target(%dma_start3A_51 : memref<520x128xf32, #tpu.memory_space<vmem_shared>>) target_semaphore(%run_scoped3A : memref<!tpu.dma_semaphore, #tpu.memory_space<semaphore_mem>>)
        %dma_wait3A_54 = arith.constant 0 : i32
        %dma_wait3A_55 = tpu.memref_slice %arg12[%mul3A_20, %dma_wait3A_54] : memref<10128x128xf32, #tpu.memory_space<vmem_shared>> -> memref<520x128xf32, #tpu.memory_space<vmem_shared>>
        %dma_wait3A_56 = arith.constant 0 : i32
        %dma_wait3A_57 = tpu.memref_slice %arg2[%mul3A_20, %dma_wait3A_56] : memref<10000x128xf32, #tpu.memory_space<hbm>> -> memref<520x128xf32, #tpu.memory_space<hbm>>
        tpu.wait_dma2 semaphore(%run_scoped3A : memref<!tpu.dma_semaphore, #tpu.memory_space<semaphore_mem>>) src(%dma_wait3A_57 : memref<520x128xf32, #tpu.memory_space<hbm>>) dst(%dma_wait3A_55 : memref<520x128xf32, #tpu.memory_space<vmem_shared>>)
        tpu.yield
      }) : () -> ()
    } else {
    }
    %dma_wait3A = tpu.memref_slice %arg3[%mul3A_4] : memref<327680xi32, #tpu.memory_space<hbm>> -> memref<128xi32, #tpu.memory_space<hbm>>
    %dma_wait3A_27 = tpu.memref_slice %arg3[%mul3A_4] : memref<327680xi32, #tpu.memory_space<hbm>> -> memref<128xi32, #tpu.memory_space<hbm>>
    tpu.wait_dma2 semaphore(%arg13 : memref<!tpu.dma_semaphore, #tpu.memory_space<semaphore_mem>>) src(%dma_wait3A_27 : memref<128xi32, #tpu.memory_space<hbm>>) dst(%arg6 : memref<128xi32, #tpu.memory_space<vmem>>)
    %dma_wait3A_28 = tpu.memref_slice %arg4[%mul3A_4] : memref<327680xi32, #tpu.memory_space<hbm>> -> memref<128xi32, #tpu.memory_space<hbm>>
    %dma_wait3A_29 = tpu.memref_slice %arg4[%mul3A_4] : memref<327680xi32, #tpu.memory_space<hbm>> -> memref<128xi32, #tpu.memory_space<hbm>>
    tpu.wait_dma2 semaphore(%arg13 : memref<!tpu.dma_semaphore, #tpu.memory_space<semaphore_mem>>) src(%dma_wait3A_29 : memref<128xi32, #tpu.memory_space<hbm>>) dst(%arg8 : memref<128xi32, #tpu.memory_space<vmem>>)
    %barrier3A = arith.constant 0 : index
    tpu.barrier barrier_id(%barrier3A)
    %dma_start3A_30 = arith.constant 0 : i32
    %dma_start3A_31 = arith.constant 0 : i32
    %dma_start3A_32 = tpu.memref_slice %arg2[%dma_start3A_30, %dma_start3A_31] : memref<10000x128xf32, #tpu.memory_space<hbm>> -> memref<10000x128xf32, #tpu.memory_space<hbm>>
    tpu.enqueue_indirect_dma source(%dma_start3A_32 : memref<10000x128xf32, #tpu.memory_space<hbm>>) target(%arg10 : memref<128x128xf32, #tpu.memory_space<vmem>>) offsets(%arg6 : memref<128xi32, #tpu.memory_space<vmem>>) semaphore(%arg15 : memref<!tpu.dma_semaphore, #tpu.memory_space<semaphore_mem>>)
    %scan3A = arith.constant 0 : i32
    %scan3A_33 = arith.constant 0 : i32
    %scan3A_34 = arith.constant 40 : i32
    %scan3A_35 = arith.addi %scan3A_33, %scan3A_34 : i32
    %scan3A_36 = arith.constant 1 : i32
    %scan3A_37 = scf.for %scan3A_50 = %scan3A_33 to %scan3A_35 step %scan3A_36 iter_args(%scan3A_51 = %scan3A) -> (i32)  : i32 {
      %mul3A_52 = arith.constant 2 : i32
      %mul3A_53 = arith.muli %mul3A_52, %scan3A_50 : i32
      %dma_wait3A_54 = arith.constant 0 : i32
      %dma_wait3A_55 = arith.constant 0 : i32
      %dma_wait3A_56 = tpu.memref_slice %arg2[%dma_wait3A_54, %dma_wait3A_55] : memref<10000x128xf32, #tpu.memory_space<hbm>> -> memref<10000x128xf32, #tpu.memory_space<hbm>>
      tpu.wait_indirect_dma semaphore(%arg15 : memref<!tpu.dma_semaphore, #tpu.memory_space<semaphore_mem>>) src(%dma_wait3A_56 : memref<10000x128xf32, #tpu.memory_space<hbm>>) dst(%arg10 : memref<128x128xf32, #tpu.memory_space<vmem>>)
      %dma_wait3A_57 = tpu.memref_slice %arg3[%mul3A_4] : memref<327680xi32, #tpu.memory_space<hbm>> -> memref<128xi32, #tpu.memory_space<hbm>>
      %dma_wait3A_58 = tpu.memref_slice %arg3[%mul3A_4] : memref<327680xi32, #tpu.memory_space<hbm>> -> memref<128xi32, #tpu.memory_space<hbm>>
      tpu.wait_dma2 semaphore(%arg14 : memref<!tpu.dma_semaphore, #tpu.memory_space<semaphore_mem>>) src(%dma_wait3A_58 : memref<128xi32, #tpu.memory_space<hbm>>) dst(%arg7 : memref<128xi32, #tpu.memory_space<vmem>>)
      %dma_wait3A_59 = tpu.memref_slice %arg4[%mul3A_4] : memref<327680xi32, #tpu.memory_space<hbm>> -> memref<128xi32, #tpu.memory_space<hbm>>
      %dma_wait3A_60 = tpu.memref_slice %arg4[%mul3A_4] : memref<327680xi32, #tpu.memory_space<hbm>> -> memref<128xi32, #tpu.memory_space<hbm>>
      tpu.wait_dma2 semaphore(%arg14 : memref<!tpu.dma_semaphore, #tpu.memory_space<semaphore_mem>>) src(%dma_wait3A_60 : memref<128xi32, #tpu.memory_space<hbm>>) dst(%arg9 : memref<128xi32, #tpu.memory_space<vmem>>)
      %dma_start3A_61 = arith.constant 0 : i32
      %dma_start3A_62 = arith.constant 0 : i32
      %dma_start3A_63 = tpu.memref_slice %arg2[%dma_start3A_61, %dma_start3A_62] : memref<10000x128xf32, #tpu.memory_space<hbm>> -> memref<10000x128xf32, #tpu.memory_space<hbm>>
      tpu.enqueue_indirect_dma source(%dma_start3A_63 : memref<10000x128xf32, #tpu.memory_space<hbm>>) target(%arg11 : memref<128x128xf32, #tpu.memory_space<vmem>>) offsets(%arg7 : memref<128xi32, #tpu.memory_space<vmem>>) semaphore(%arg16 : memref<!tpu.dma_semaphore, #tpu.memory_space<semaphore_mem>>)
      %dma_start3A_64 = arith.constant 0 : i32
      %dma_start3A_65 = arith.constant 0 : i32
      %dma_start3A_66 = tpu.memref_slice %arg12[%dma_start3A_64, %dma_start3A_65] : memref<10128x128xf32, #tpu.memory_space<vmem_shared>> -> memref<10128x128xf32, #tpu.memory_space<vmem_shared>>
      tpu.enqueue_indirect_dma source(%arg10 : memref<128x128xf32, #tpu.memory_space<vmem>>) target(%dma_start3A_66 : memref<10128x128xf32, #tpu.memory_space<vmem_shared>>) offsets(%arg8 : memref<128xi32, #tpu.memory_space<vmem>>) semaphore(%arg17 : memref<!tpu.dma_semaphore, #tpu.memory_space<semaphore_mem>>) {add = true}
      %dma_wait3A_67 = arith.constant 0 : i32
      %dma_wait3A_68 = arith.constant 0 : i32
      %dma_wait3A_69 = tpu.memref_slice %arg2[%dma_wait3A_67, %dma_wait3A_68] : memref<10000x128xf32, #tpu.memory_space<hbm>> -> memref<10000x128xf32, #tpu.memory_space<hbm>>
      tpu.wait_indirect_dma semaphore(%arg16 : memref<!tpu.dma_semaphore, #tpu.memory_space<semaphore_mem>>) src(%dma_wait3A_69 : memref<10000x128xf32, #tpu.memory_space<hbm>>) dst(%arg11 : memref<128x128xf32, #tpu.memory_space<vmem>>)
      %dma_start3A_70 = arith.constant 0 : i32
      %dma_start3A_71 = arith.constant 0 : i32
      %dma_start3A_72 = tpu.memref_slice %arg12[%dma_start3A_70, %dma_start3A_71] : memref<10128x128xf32, #tpu.memory_space<vmem_shared>> -> memref<10128x128xf32, #tpu.memory_space<vmem_shared>>
      tpu.enqueue_indirect_dma source(%arg11 : memref<128x128xf32, #tpu.memory_space<vmem>>) target(%dma_start3A_72 : memref<10128x128xf32, #tpu.memory_space<vmem_shared>>) offsets(%arg9 : memref<128xi32, #tpu.memory_space<vmem>>) semaphore(%arg18 : memref<!tpu.dma_semaphore, #tpu.memory_space<semaphore_mem>>) {add = true}
      %dma_wait3A_73 = arith.constant 0 : i32
      %dma_wait3A_74 = arith.constant 0 : i32
      %dma_wait3A_75 = tpu.memref_slice %arg12[%dma_wait3A_73, %dma_wait3A_74] : memref<10128x128xf32, #tpu.memory_space<vmem_shared>> -> memref<10128x128xf32, #tpu.memory_space<vmem_shared>>
      tpu.wait_indirect_dma semaphore(%arg17 : memref<!tpu.dma_semaphore, #tpu.memory_space<semaphore_mem>>) src(%arg10 : memref<128x128xf32, #tpu.memory_space<vmem>>) dst(%dma_wait3A_75 : memref<10128x128xf32, #tpu.memory_space<vmem_shared>>)
      %add3A_76 = arith.constant 2 : i32
      %add3A_77 = arith.addi %mul3A_53, %add3A_76 : i32
      %lt3A_78 = arith.constant 80 : i32
      %lt3A_79 = arith.cmpi slt, %add3A_77, %lt3A_78 : i32
      %convert_element_type3A_80 = arith.extui %lt3A_79 : i1 to i32
      %cond3A_81 = arith.constant 0 : i32
      %cond3A_82 = arith.cmpi ne, %convert_element_type3A_80, %cond3A_81 : i32
      scf.if %cond3A_82 {
        %add3A_94 = arith.constant 2 : i32
        %add3A_95 = arith.addi %mul3A_53, %add3A_94 : i32
        %mul3A_96 = arith.constant 128 : i32
        %mul3A_97 = arith.muli %add3A_95, %mul3A_96 : i32
        %multiple_of3A_98 = tpu.assume_multiple %mul3A_97, 128 : i32
        %add3A_99 = arith.addi %mul3A_4, %multiple_of3A_98 : i32
        %dma_start3A_100 = tpu.memref_slice %arg3[%add3A_99] : memref<327680xi32, #tpu.memory_space<hbm>> -> memref<128xi32, #tpu.memory_space<hbm>>
        %dma_start3A_101 = tpu.memref_slice %arg3[%add3A_99] : memref<327680xi32, #tpu.memory_space<hbm>> -> memref<128xi32, #tpu.memory_space<hbm>>
        tpu.enqueue_dma source(%dma_start3A_101 : memref<128xi32, #tpu.memory_space<hbm>>) target(%arg6 : memref<128xi32, #tpu.memory_space<vmem>>) target_semaphore(%arg13 : memref<!tpu.dma_semaphore, #tpu.memory_space<semaphore_mem>>)
        %add3A_102 = arith.addi %mul3A_4, %multiple_of3A_98 : i32
        %dma_start3A_103 = tpu.memref_slice %arg4[%add3A_102] : memref<327680xi32, #tpu.memory_space<hbm>> -> memref<128xi32, #tpu.memory_space<hbm>>
        %dma_start3A_104 = tpu.memref_slice %arg4[%add3A_102] : memref<327680xi32, #tpu.memory_space<hbm>> -> memref<128xi32, #tpu.memory_space<hbm>>
        tpu.enqueue_dma source(%dma_start3A_104 : memref<128xi32, #tpu.memory_space<hbm>>) target(%arg8 : memref<128xi32, #tpu.memory_space<vmem>>) target_semaphore(%arg13 : memref<!tpu.dma_semaphore, #tpu.memory_space<semaphore_mem>>)
        %dma_wait3A_105 = tpu.memref_slice %arg3[%mul3A_4] : memref<327680xi32, #tpu.memory_space<hbm>> -> memref<128xi32, #tpu.memory_space<hbm>>
        %dma_wait3A_106 = tpu.memref_slice %arg3[%mul3A_4] : memref<327680xi32, #tpu.memory_space<hbm>> -> memref<128xi32, #tpu.memory_space<hbm>>
        tpu.wait_dma2 semaphore(%arg13 : memref<!tpu.dma_semaphore, #tpu.memory_space<semaphore_mem>>) src(%dma_wait3A_106 : memref<128xi32, #tpu.memory_space<hbm>>) dst(%arg6 : memref<128xi32, #tpu.memory_space<vmem>>)
        %dma_wait3A_107 = tpu.memref_slice %arg4[%mul3A_4] : memref<327680xi32, #tpu.memory_space<hbm>> -> memref<128xi32, #tpu.memory_space<hbm>>
        %dma_wait3A_108 = tpu.memref_slice %arg4[%mul3A_4] : memref<327680xi32, #tpu.memory_space<hbm>> -> memref<128xi32, #tpu.memory_space<hbm>>
        tpu.wait_dma2 semaphore(%arg13 : memref<!tpu.dma_semaphore, #tpu.memory_space<semaphore_mem>>) src(%dma_wait3A_108 : memref<128xi32, #tpu.memory_space<hbm>>) dst(%arg8 : memref<128xi32, #tpu.memory_space<vmem>>)
        %dma_start3A_109 = arith.constant 0 : i32
        %dma_start3A_110 = arith.constant 0 : i32
        %dma_start3A_111 = tpu.memref_slice %arg2[%dma_start3A_109, %dma_start3A_110] : memref<10000x128xf32, #tpu.memory_space<hbm>> -> memref<10000x128xf32, #tpu.memory_space<hbm>>
        tpu.enqueue_indirect_dma source(%dma_start3A_111 : memref<10000x128xf32, #tpu.memory_space<hbm>>) target(%arg10 : memref<128x128xf32, #tpu.memory_space<vmem>>) offsets(%arg6 : memref<128xi32, #tpu.memory_space<vmem>>) semaphore(%arg15 : memref<!tpu.dma_semaphore, #tpu.memory_space<semaphore_mem>>)
      } else {
      }
      %dma_wait3A_83 = arith.constant 0 : i32
      %dma_wait3A_84 = arith.constant 0 : i32
      %dma_wait3A_85 = tpu.memref_slice %arg12[%dma_wait3A_83, %dma_wait3A_84] : memref<10128x128xf32, #tpu.memory_space<vmem_shared>> -> memref<10128x128xf32, #tpu.memory_space<vmem_shared>>
      tpu.wait_indirect_dma semaphore(%arg18 : memref<!tpu.dma_semaphore, #tpu.memory_space<semaphore_mem>>) src(%arg11 : memref<128x128xf32, #tpu.memory_space<vmem>>) dst(%dma_wait3A_85 : memref<10128x128xf32, #tpu.memory_space<vmem_shared>>)
      %add3A_86 = arith.constant 3 : i32
      %add3A_87 = arith.addi %mul3A_53, %add3A_86 : i32
      %lt3A_88 = arith.constant 80 : i32
      %lt3A_89 = arith.cmpi slt, %add3A_87, %lt3A_88 : i32
      %convert_element_type3A_90 = arith.extui %lt3A_89 : i1 to i32
      %cond3A_91 = arith.constant 0 : i32
      %cond3A_92 = arith.cmpi ne, %convert_element_type3A_90, %cond3A_91 : i32
      scf.if %cond3A_92 {
        %add3A_94 = arith.constant 3 : i32
        %add3A_95 = arith.addi %mul3A_53, %add3A_94 : i32
        %mul3A_96 = arith.constant 128 : i32
        %mul3A_97 = arith.muli %add3A_95, %mul3A_96 : i32
        %multiple_of3A_98 = tpu.assume_multiple %mul3A_97, 128 : i32
        %add3A_99 = arith.addi %mul3A_4, %multiple_of3A_98 : i32
        %dma_start3A_100 = tpu.memref_slice %arg3[%add3A_99] : memref<327680xi32, #tpu.memory_space<hbm>> -> memref<128xi32, #tpu.memory_space<hbm>>
        %dma_start3A_101 = tpu.memref_slice %arg3[%add3A_99] : memref<327680xi32, #tpu.memory_space<hbm>> -> memref<128xi32, #tpu.memory_space<hbm>>
        tpu.enqueue_dma source(%dma_start3A_101 : memref<128xi32, #tpu.memory_space<hbm>>) target(%arg7 : memref<128xi32, #tpu.memory_space<vmem>>) target_semaphore(%arg14 : memref<!tpu.dma_semaphore, #tpu.memory_space<semaphore_mem>>)
        %add3A_102 = arith.addi %mul3A_4, %multiple_of3A_98 : i32
        %dma_start3A_103 = tpu.memref_slice %arg4[%add3A_102] : memref<327680xi32, #tpu.memory_space<hbm>> -> memref<128xi32, #tpu.memory_space<hbm>>
        %dma_start3A_104 = tpu.memref_slice %arg4[%add3A_102] : memref<327680xi32, #tpu.memory_space<hbm>> -> memref<128xi32, #tpu.memory_space<hbm>>
        tpu.enqueue_dma source(%dma_start3A_104 : memref<128xi32, #tpu.memory_space<hbm>>) target(%arg9 : memref<128xi32, #tpu.memory_space<vmem>>) target_semaphore(%arg14 : memref<!tpu.dma_semaphore, #tpu.memory_space<semaphore_mem>>)
      } else {
      }
      %scan3A_93 = arith.constant 0 : i32
      scf.yield %scan3A_93 : i32
    }
    %scan3A_38 = arith.constant 40 : i32
    %barrier3A_39 = arith.constant 0 : index
    tpu.barrier barrier_id(%barrier3A_39)
    %lt3A_40 = arith.constant 15 : i32
    %lt3A_41 = arith.cmpi slt, %arg1, %lt3A_40 : i32
    %convert_element_type3A_42 = arith.extui %lt3A_41 : i1 to i32
    %cond3A_43 = arith.constant 0 : i32
    %cond3A_44 = arith.cmpi ne, %convert_element_type3A_42, %cond3A_43 : i32
    scf.if %cond3A_44 {
      "tpu.region"() ({
        %run_scoped3A = tpu.sem_alloc : memref<!tpu.dma_semaphore, #tpu.memory_space<semaphore_mem>>
        %dma_start3A_50 = arith.constant 0 : i32
        %dma_start3A_51 = tpu.memref_slice %arg5[%arg0, %mul3A_20, %dma_start3A_50] : memref<2x10000x128xf32, #tpu.memory_space<hbm>> -> memref<1x632x128xf32, #tpu.memory_space<hbm>>
        %dma_start3A_52 = tpu.memref_squeeze %dma_start3A_51 : memref<1x632x128xf32, #tpu.memory_space<hbm>> -> memref<632x128xf32, #tpu.memory_space<hbm>>
        %dma_start3A_53 = arith.constant 0 : i32
        %dma_start3A_54 = tpu.memref_slice %arg12[%mul3A_20, %dma_start3A_53] : memref<10128x128xf32, #tpu.memory_space<vmem_shared>> -> memref<632x128xf32, #tpu.memory_space<vmem_shared>>
        tpu.enqueue_dma source(%dma_start3A_54 : memref<632x128xf32, #tpu.memory_space<vmem_shared>>) target(%dma_start3A_52 : memref<632x128xf32, #tpu.memory_space<hbm>>) target_semaphore(%run_scoped3A : memref<!tpu.dma_semaphore, #tpu.memory_space<semaphore_mem>>)
        %dma_wait3A_55 = arith.constant 0 : i32
        %dma_wait3A_56 = tpu.memref_slice %arg5[%arg0, %mul3A_20, %dma_wait3A_55] : memref<2x10000x128xf32, #tpu.memory_space<hbm>> -> memref<1x632x128xf32, #tpu.memory_space<hbm>>
        %dma_wait3A_57 = tpu.memref_squeeze %dma_wait3A_56 : memref<1x632x128xf32, #tpu.memory_space<hbm>> -> memref<632x128xf32, #tpu.memory_space<hbm>>
        %dma_wait3A_58 = arith.constant 0 : i32
        %dma_wait3A_59 = tpu.memref_slice %arg12[%mul3A_20, %dma_wait3A_58] : memref<10128x128xf32, #tpu.memory_space<vmem_shared>> -> memref<632x128xf32, #tpu.memory_space<vmem_shared>>
        tpu.wait_dma2 semaphore(%run_scoped3A : memref<!tpu.dma_semaphore, #tpu.memory_space<semaphore_mem>>) src(%dma_wait3A_59 : memref<632x128xf32, #tpu.memory_space<vmem_shared>>) dst(%dma_wait3A_57 : memref<632x128xf32, #tpu.memory_space<hbm>>)
        tpu.yield
      }) : () -> ()
    } else {
    }
    %eq3A_45 = arith.constant 15 : i32
    %eq3A_46 = arith.cmpi eq, %arg1, %eq3A_45 : i32
    %convert_element_type3A_47 = arith.extui %eq3A_46 : i1 to i32
    %cond3A_48 = arith.constant 0 : i32
    %cond3A_49 = arith.cmpi ne, %convert_element_type3A_47, %cond3A_48 : i32
    scf.if %cond3A_49 {
      "tpu.region"() ({
        %run_scoped3A = tpu.sem_alloc : memref<!tpu.dma_semaphore, #tpu.memory_space<semaphore_mem>>
        %dma_start3A_50 = arith.constant 0 : i32
        %dma_start3A_51 = tpu.memref_slice %arg5[%arg0, %mul3A_20, %dma_start3A_50] : memref<2x10000x128xf32, #tpu.memory_space<hbm>> -> memref<1x520x128xf32, #tpu.memory_space<hbm>>
        %dma_start3A_52 = tpu.memref_squeeze %dma_start3A_51 : memref<1x520x128xf32, #tpu.memory_space<hbm>> -> memref<520x128xf32, #tpu.memory_space<hbm>>
        %dma_start3A_53 = arith.constant 0 : i32
        %dma_start3A_54 = tpu.memref_slice %arg12[%mul3A_20, %dma_start3A_53] : memref<10128x128xf32, #tpu.memory_space<vmem_shared>> -> memref<520x128xf32, #tpu.memory_space<vmem_shared>>
        tpu.enqueue_dma source(%dma_start3A_54 : memref<520x128xf32, #tpu.memory_space<vmem_shared>>) target(%dma_start3A_52 : memref<520x128xf32, #tpu.memory_space<hbm>>) target_semaphore(%run_scoped3A : memref<!tpu.dma_semaphore, #tpu.memory_space<semaphore_mem>>)
        %dma_wait3A_55 = arith.constant 0 : i32
        %dma_wait3A_56 = tpu.memref_slice %arg5[%arg0, %mul3A_20, %dma_wait3A_55] : memref<2x10000x128xf32, #tpu.memory_space<hbm>> -> memref<1x520x128xf32, #tpu.memory_space<hbm>>
        %dma_wait3A_57 = tpu.memref_squeeze %dma_wait3A_56 : memref<1x520x128xf32, #tpu.memory_space<hbm>> -> memref<520x128xf32, #tpu.memory_space<hbm>>
        %dma_wait3A_58 = arith.constant 0 : i32
        %dma_wait3A_59 = tpu.memref_slice %arg12[%mul3A_20, %dma_wait3A_58] : memref<10128x128xf32, #tpu.memory_space<vmem_shared>> -> memref<520x128xf32, #tpu.memory_space<vmem_shared>>
        tpu.wait_dma2 semaphore(%run_scoped3A : memref<!tpu.dma_semaphore, #tpu.memory_space<semaphore_mem>>) src(%dma_wait3A_59 : memref<520x128xf32, #tpu.memory_space<vmem_shared>>) dst(%dma_wait3A_57 : memref<520x128xf32, #tpu.memory_space<hbm>>)
        tpu.yield
      }) : () -> ()
    } else {
    }
    return
  }
}

module attributes {stable_mosaic.version = 14 : i64} {
  func.func @_tc0_kernel(%arg0: i32, %arg1: memref<512x128xf32, #tpu.memory_space<vmem>>, %arg2: memref<2x512xf32, #tpu.memory_space<vmem>>, %arg3: memref<512x128xf32, #tpu.memory_space<vmem>>) attributes {dimension_semantics = [#tpu.dimension_semantics<arbitrary>], iteration_bounds = array<i64: 20>, scalar_prefetch = 0 : i64, scratch_operands = 0 : i64, tpu.core_type = #tpu.core_type<tc>, window_params = [{transform_indices = @transform_0, window_bounds = array<i64: 512, 128>}, {transform_indices = @transform_1, window_bounds = array<i64: 2, 512>}, {transform_indices = @transform_2, window_bounds = array<i64: 512, 128>}]} {
    %get3A = arith.constant 0 : index
    %get3A_0 = arith.constant 0 : index
    %get3A_1 = vector.load %arg2[%get3A, %get3A_0] : memref<2x512xf32, #tpu.memory_space<vmem>>, vector<2x512xf32>
    %reduce_sum3A = arith.constant dense<0.000000e+00> : vector<512xf32>
    %reduce_sum3A_2 = vector.multi_reduction <add>, %get3A_1, %reduce_sum3A [0] : vector<2x512xf32> to vector<512xf32>
    %add3A = arith.constant 1.000000e+00 : f32
    %add3A_3 = vector.broadcast %add3A : f32 to vector<512xf32>
    %add3A_4 = arith.addf %reduce_sum3A_2, %add3A_3 : vector<512xf32>
    %rsqrt3A = math.rsqrt %add3A_4 : vector<512xf32>
    %get3A_5 = arith.constant 0 : index
    %get3A_6 = arith.constant 0 : index
    %get3A_7 = vector.load %arg1[%get3A_5, %get3A_6] : memref<512x128xf32, #tpu.memory_space<vmem>>, vector<512x128xf32>
    %broadcast_in_dim3A = vector.shape_cast %rsqrt3A : vector<512xf32> to vector<512x1xf32>
    %mul3A = vector.broadcast %broadcast_in_dim3A : vector<512x1xf32> to vector<512x128xf32>
    %mul3A_8 = arith.mulf %get3A_7, %mul3A : vector<512x128xf32>
    %swap3A = arith.constant 0 : index
    %swap3A_9 = arith.constant 0 : index
    %swap3A_10 = vector.load %arg3[%swap3A, %swap3A_9] : memref<512x128xf32, #tpu.memory_space<vmem>>, vector<512x128xf32>
    tpu.vector_store %arg3[%swap3A, %swap3A_9], %mul3A_8 {strides = array<i32>} : memref<512x128xf32, #tpu.memory_space<vmem>>, vector<512x128xf32>,
    return
  }
  func.func @transform_0(%arg0: i32) -> (i32, i32) {
    %c0_i32 = arith.constant 0 : i32
    %c0_i32_0 = arith.constant 0 : i32
    return %arg0, %c0_i32 : i32, i32
  }
  func.func @transform_1(%arg0: i32) -> (i32, i32) {
    %c0_i32 = arith.constant 0 : i32
    %c0_i32_0 = arith.constant 0 : i32
    return %c0_i32, %arg0 : i32, i32
  }
  func.func @transform_2(%arg0: i32) -> (i32, i32) {
    %c0_i32 = arith.constant 0 : i32
    %c0_i32_0 = arith.constant 0 : i32
    return %arg0, %c0_i32 : i32, i32
  }
}

module attributes {stable_mosaic.version = 14 : i64} {
  func.func @_tc1_kernel(%arg0: i32, %arg1: memref<2x512x128xf32, #tpu.memory_space<vmem>>, %arg2: memref<512x128xf32, #tpu.memory_space<vmem>>, %arg3: memref<2x512xf32, #tpu.memory_space<vmem>>, %arg4: memref<128x256xf32, #tpu.memory_space<vmem>>, %arg5: memref<256xf32, #tpu.memory_space<vmem>>, %arg6: memref<256x128xf32, #tpu.memory_space<vmem>>, %arg7: memref<1x1xf32, #tpu.memory_space<smem>>, %arg8: memref<512x128xf32, #tpu.memory_space<vmem>>) attributes {dimension_semantics = [#tpu.dimension_semantics<arbitrary>], iteration_bounds = array<i64: 20>, scalar_prefetch = 0 : i64, scratch_operands = 0 : i64, tpu.core_type = #tpu.core_type<tc>, window_params = [{transform_indices = @transform_0, window_bounds = array<i64: 2, 512, 128>}, {transform_indices = @transform_1, window_bounds = array<i64: 512, 128>}, {transform_indices = @transform_2, window_bounds = array<i64: 2, 512>}, {pipeline_mode = #tpu.pipeline_mode<synchronous>, transform_indices = @transform_3, window_bounds = array<i64: 128, 256>}, {pipeline_mode = #tpu.pipeline_mode<synchronous>, transform_indices = @transform_4, window_bounds = array<i64: 256>}, {pipeline_mode = #tpu.pipeline_mode<synchronous>, transform_indices = @transform_5, window_bounds = array<i64: 256, 128>}, {transform_indices = @transform_6, window_bounds = array<i64: 1, 1>}, {transform_indices = @transform_7, window_bounds = array<i64: 512, 128>}]} {
    %get3A = arith.constant 0 : index
    %get3A_0 = arith.constant 0 : index
    %get3A_1 = memref.load %arg7[%get3A, %get3A_0] : memref<1x1xf32, #tpu.memory_space<smem>>
    %get3A_2 = arith.constant 0 : index
    %get3A_3 = arith.constant 0 : index
    %get3A_4 = vector.load %arg3[%get3A_2, %get3A_3] : memref<2x512xf32, #tpu.memory_space<vmem>>, vector<2x512xf32>
    %reduce_sum3A = arith.constant dense<0.000000e+00> : vector<512xf32>
    %reduce_sum3A_5 = vector.multi_reduction <add>, %get3A_4, %reduce_sum3A [0] : vector<2x512xf32> to vector<512xf32>
    %add3A = arith.constant 1.000000e+00 : f32
    %add3A_6 = vector.broadcast %add3A : f32 to vector<512xf32>
    %add3A_7 = arith.addf %reduce_sum3A_5, %add3A_6 : vector<512xf32>
    %rsqrt3A = math.rsqrt %add3A_7 : vector<512xf32>
    %get3A_8 = arith.constant 0 : index
    %get3A_9 = arith.constant 0 : index
    %get3A_10 = arith.constant 0 : index
    %get3A_11 = vector.load %arg1[%get3A_8, %get3A_9, %get3A_10] : memref<2x512x128xf32, #tpu.memory_space<vmem>>, vector<1x512x128xf32>
    %get3A_12 = vector.shape_cast %get3A_11 : vector<1x512x128xf32> to vector<512x128xf32>
    %get3A_13 = arith.constant 1 : index
    %get3A_14 = arith.constant 0 : index
    %get3A_15 = arith.constant 0 : index
    %get3A_16 = vector.load %arg1[%get3A_13, %get3A_14, %get3A_15] : memref<2x512x128xf32, #tpu.memory_space<vmem>>, vector<1x512x128xf32>
    %get3A_17 = vector.shape_cast %get3A_16 : vector<1x512x128xf32> to vector<512x128xf32>
    %add3A_18 = arith.addf %get3A_12, %get3A_17 : vector<512x128xf32>
    %get3A_19 = arith.constant 0 : index
    %get3A_20 = arith.constant 0 : index
    %get3A_21 = vector.load %arg2[%get3A_19, %get3A_20] : memref<512x128xf32, #tpu.memory_space<vmem>>, vector<512x128xf32>
    %sub3A = arith.subf %add3A_18, %get3A_21 : vector<512x128xf32>
    %broadcast_in_dim3A = vector.shape_cast %rsqrt3A : vector<512xf32> to vector<512x1xf32>
    %mul3A = vector.broadcast %broadcast_in_dim3A : vector<512x1xf32> to vector<512x128xf32>
    %mul3A_22 = arith.mulf %sub3A, %mul3A : vector<512x128xf32>
    %get3A_23 = arith.constant 0 : index
    %get3A_24 = arith.constant 0 : index
    %get3A_25 = vector.load %arg4[%get3A_23, %get3A_24] : memref<128x256xf32, #tpu.memory_space<vmem>>, vector<128x256xf32>
    %dot_general3A = arith.constant dense<0.000000e+00> : vector<512x256xf32>
    %dot_general3A_26 = tpu.matmul %mul3A_22, %get3A_25, %dot_general3A {dimension_numbers = #tpu.dot_dimension_numbers<[1], [0], [0], [1], [0, 0, 1, 1], [], []>, transpose_lhs_hint = false} : vector<512x128xf32>, vector<128x256xf32>, vector<512x256xf32> -> vector<512x256xf32>
    %get3A_27 = arith.constant 0 : index
    %get3A_28 = vector.load %arg5[%get3A_27] : memref<256xf32, #tpu.memory_space<vmem>>, vector<256xf32>
    %broadcast_in_dim3A_29 = vector.shape_cast %get3A_28 : vector<256xf32> to vector<1x256xf32>
    %add3A_30 = vector.broadcast %broadcast_in_dim3A_29 : vector<1x256xf32> to vector<512x256xf32>
    %add3A_31 = arith.addf %dot_general3A_26, %add3A_30 : vector<512x256xf32>
    %ge3A = arith.constant 0.000000e+00 : f32
    %ge3A_32 = vector.broadcast %ge3A : f32 to vector<512x256xf32>
    %ge3A_33 = arith.cmpf oge, %add3A_31, %ge3A_32 : vector<512x256xf32>
    %mul3A_34 = vector.broadcast %get3A_1 : f32 to vector<512x256xf32>
    %mul3A_35 = arith.mulf %mul3A_34, %add3A_31 : vector<512x256xf32>
    %select_n3A = arith.select %ge3A_33, %add3A_31, %mul3A_35 : vector<512x256xi1>, vector<512x256xf32>
    %get3A_36 = arith.constant 0 : index
    %get3A_37 = arith.constant 0 : index
    %get3A_38 = vector.load %arg6[%get3A_36, %get3A_37] : memref<256x128xf32, #tpu.memory_space<vmem>>, vector<256x128xf32>
    %dot_general3A_39 = arith.constant dense<0.000000e+00> : vector<512x128xf32>
    %dot_general3A_40 = tpu.matmul %select_n3A, %get3A_38, %dot_general3A_39 {dimension_numbers = #tpu.dot_dimension_numbers<[1], [0], [0], [1], [0, 0, 1, 1], [], []>, transpose_lhs_hint = false} : vector<512x256xf32>, vector<256x128xf32>, vector<512x128xf32> -> vector<512x128xf32>
    %broadcast_in_dim3A_41 = vector.shape_cast %rsqrt3A : vector<512xf32> to vector<512x1xf32>
    %mul3A_42 = vector.broadcast %broadcast_in_dim3A_41 : vector<512x1xf32> to vector<512x128xf32>
    %mul3A_43 = arith.mulf %dot_general3A_40, %mul3A_42 : vector<512x128xf32>
    %swap3A = arith.constant 0 : index
    %swap3A_44 = arith.constant 0 : index
    %swap3A_45 = vector.load %arg8[%swap3A, %swap3A_44] : memref<512x128xf32, #tpu.memory_space<vmem>>, vector<512x128xf32>
    tpu.vector_store %arg8[%swap3A, %swap3A_44], %mul3A_43 {strides = array<i32>} : memref<512x128xf32, #tpu.memory_space<vmem>>, vector<512x128xf32>,
    return
  }
  func.func @transform_0(%arg0: i32) -> (i32, i32, i32) {
    %c0_i32 = arith.constant 0 : i32
    %c0_i32_0 = arith.constant 0 : i32
    %c0_i32_1 = arith.constant 0 : i32
    return %c0_i32, %arg0, %c0_i32_0 : i32, i32, i32
  }
  func.func @transform_1(%arg0: i32) -> (i32, i32) {
    %c0_i32 = arith.constant 0 : i32
    %c0_i32_0 = arith.constant 0 : i32
    return %arg0, %c0_i32 : i32, i32
  }
  func.func @transform_2(%arg0: i32) -> (i32, i32) {
    %c0_i32 = arith.constant 0 : i32
    %c0_i32_0 = arith.constant 0 : i32
    return %c0_i32, %arg0 : i32, i32
  }
  func.func @transform_3(%arg0: i32) -> (i32, i32) {
    %c0_i32 = arith.constant 0 : i32
    %c0_i32_0 = arith.constant 0 : i32
    %c0_i32_1 = arith.constant 0 : i32
    return %c0_i32, %c0_i32_0 : i32, i32
  }
  func.func @transform_4(%arg0: i32) -> i32 {
    %c0_i32 = arith.constant 0 : i32
    %c0_i32_0 = arith.constant 0 : i32
    return %c0_i32 : i32
  }
  func.func @transform_5(%arg0: i32) -> (i32, i32) {
    %c0_i32 = arith.constant 0 : i32
    %c0_i32_0 = arith.constant 0 : i32
    %c0_i32_1 = arith.constant 0 : i32
    return %c0_i32, %c0_i32_0 : i32, i32
  }
  func.func @transform_6(%arg0: i32) -> (i32, i32) {
    %c0_i32 = arith.constant 0 : i32
    %c0_i32_0 = arith.constant 0 : i32
    %c0_i32_1 = arith.constant 0 : i32
    return %c0_i32, %c0_i32_0 : i32, i32
  }
  func.func @transform_7(%arg0: i32) -> (i32, i32) {
    %c0_i32 = arith.constant 0 : i32
    %c0_i32_0 = arith.constant 0 : i32
    return %arg0, %c0_i32 : i32, i32
  }
}

module attributes {stable_mosaic.version = 14 : i64} {
  func.func @_tc2_kernel(%arg0: i32, %arg1: memref<2x512x128xf32, #tpu.memory_space<vmem>>, %arg2: memref<512x128xf32, #tpu.memory_space<vmem>>, %arg3: memref<2x512xf32, #tpu.memory_space<vmem>>, %arg4: memref<128xf32, #tpu.memory_space<vmem>>, %arg5: memref<1x1xf32, #tpu.memory_space<smem>>, %arg6: memref<512x128xf32, #tpu.memory_space<vmem>>) attributes {dimension_semantics = [#tpu.dimension_semantics<arbitrary>], iteration_bounds = array<i64: 20>, scalar_prefetch = 0 : i64, scratch_operands = 0 : i64, tpu.core_type = #tpu.core_type<tc>, window_params = [{transform_indices = @transform_0, window_bounds = array<i64: 2, 512, 128>}, {transform_indices = @transform_1, window_bounds = array<i64: 512, 128>}, {transform_indices = @transform_2, window_bounds = array<i64: 2, 512>}, {pipeline_mode = #tpu.pipeline_mode<synchronous>, transform_indices = @transform_3, window_bounds = array<i64: 128>}, {transform_indices = @transform_4, window_bounds = array<i64: 1, 1>}, {transform_indices = @transform_5, window_bounds = array<i64: 512, 128>}]} {
    %get3A = arith.constant 0 : index
    %get3A_0 = arith.constant 0 : index
    %get3A_1 = memref.load %arg5[%get3A, %get3A_0] : memref<1x1xf32, #tpu.memory_space<smem>>
    %get3A_2 = arith.constant 0 : index
    %get3A_3 = arith.constant 0 : index
    %get3A_4 = vector.load %arg3[%get3A_2, %get3A_3] : memref<2x512xf32, #tpu.memory_space<vmem>>, vector<2x512xf32>
    %reduce_sum3A = arith.constant dense<0.000000e+00> : vector<512xf32>
    %reduce_sum3A_5 = vector.multi_reduction <add>, %get3A_4, %reduce_sum3A [0] : vector<2x512xf32> to vector<512xf32>
    %add3A = arith.constant 1.000000e+00 : f32
    %add3A_6 = vector.broadcast %add3A : f32 to vector<512xf32>
    %add3A_7 = arith.addf %reduce_sum3A_5, %add3A_6 : vector<512xf32>
    %rsqrt3A = math.rsqrt %add3A_7 : vector<512xf32>
    %get3A_8 = arith.constant 0 : index
    %get3A_9 = arith.constant 0 : index
    %get3A_10 = arith.constant 0 : index
    %get3A_11 = vector.load %arg1[%get3A_8, %get3A_9, %get3A_10] : memref<2x512x128xf32, #tpu.memory_space<vmem>>, vector<1x512x128xf32>
    %get3A_12 = vector.shape_cast %get3A_11 : vector<1x512x128xf32> to vector<512x128xf32>
    %get3A_13 = arith.constant 1 : index
    %get3A_14 = arith.constant 0 : index
    %get3A_15 = arith.constant 0 : index
    %get3A_16 = vector.load %arg1[%get3A_13, %get3A_14, %get3A_15] : memref<2x512x128xf32, #tpu.memory_space<vmem>>, vector<1x512x128xf32>
    %get3A_17 = vector.shape_cast %get3A_16 : vector<1x512x128xf32> to vector<512x128xf32>
    %add3A_18 = arith.addf %get3A_12, %get3A_17 : vector<512x128xf32>
    %get3A_19 = arith.constant 0 : index
    %get3A_20 = arith.constant 0 : index
    %get3A_21 = vector.load %arg2[%get3A_19, %get3A_20] : memref<512x128xf32, #tpu.memory_space<vmem>>, vector<512x128xf32>
    %sub3A = arith.subf %add3A_18, %get3A_21 : vector<512x128xf32>
    %broadcast_in_dim3A = vector.shape_cast %rsqrt3A : vector<512xf32> to vector<512x1xf32>
    %mul3A = vector.broadcast %broadcast_in_dim3A : vector<512x1xf32> to vector<512x128xf32>
    %mul3A_22 = arith.mulf %sub3A, %mul3A : vector<512x128xf32>
    %get3A_23 = arith.constant 0 : index
    %get3A_24 = vector.load %arg4[%get3A_23] : memref<128xf32, #tpu.memory_space<vmem>>, vector<128xf32>
    %broadcast_in_dim3A_25 = vector.shape_cast %get3A_24 : vector<128xf32> to vector<1x128xf32>
    %add3A_26 = vector.broadcast %broadcast_in_dim3A_25 : vector<1x128xf32> to vector<512x128xf32>
    %add3A_27 = arith.addf %mul3A_22, %add3A_26 : vector<512x128xf32>
    %ge3A = arith.constant 0.000000e+00 : f32
    %ge3A_28 = vector.broadcast %ge3A : f32 to vector<512x128xf32>
    %ge3A_29 = arith.cmpf oge, %add3A_27, %ge3A_28 : vector<512x128xf32>
    %mul3A_30 = vector.broadcast %get3A_1 : f32 to vector<512x128xf32>
    %mul3A_31 = arith.mulf %mul3A_30, %add3A_27 : vector<512x128xf32>
    %select_n3A = arith.select %ge3A_29, %add3A_27, %mul3A_31 : vector<512x128xi1>, vector<512x128xf32>
    %swap3A = arith.constant 0 : index
    %swap3A_32 = arith.constant 0 : index
    %swap3A_33 = vector.load %arg6[%swap3A, %swap3A_32] : memref<512x128xf32, #tpu.memory_space<vmem>>, vector<512x128xf32>
    tpu.vector_store %arg6[%swap3A, %swap3A_32], %select_n3A {strides = array<i32>} : memref<512x128xf32, #tpu.memory_space<vmem>>, vector<512x128xf32>,
    return
  }
  func.func @transform_0(%arg0: i32) -> (i32, i32, i32) {
    %c0_i32 = arith.constant 0 : i32
    %c0_i32_0 = arith.constant 0 : i32
    %c0_i32_1 = arith.constant 0 : i32
    return %c0_i32, %arg0, %c0_i32_0 : i32, i32, i32
  }
  func.func @transform_1(%arg0: i32) -> (i32, i32) {
    %c0_i32 = arith.constant 0 : i32
    %c0_i32_0 = arith.constant 0 : i32
    return %arg0, %c0_i32 : i32, i32
  }
  func.func @transform_2(%arg0: i32) -> (i32, i32) {
    %c0_i32 = arith.constant 0 : i32
    %c0_i32_0 = arith.constant 0 : i32
    return %c0_i32, %arg0 : i32, i32
  }
  func.func @transform_3(%arg0: i32) -> i32 {
    %c0_i32 = arith.constant 0 : i32
    %c0_i32_0 = arith.constant 0 : i32
    return %c0_i32 : i32
  }
  func.func @transform_4(%arg0: i32) -> (i32, i32) {
    %c0_i32 = arith.constant 0 : i32
    %c0_i32_0 = arith.constant 0 : i32
    %c0_i32_1 = arith.constant 0 : i32
    return %c0_i32, %c0_i32_0 : i32, i32
  }
  func.func @transform_5(%arg0: i32) -> (i32, i32) {
    %c0_i32 = arith.constant 0 : i32
    %c0_i32_0 = arith.constant 0 : i32
    return %arg0, %c0_i32 : i32, i32
  }
}

</mosaic_0001>

<sc_bundles>
// kernel: degree.3.cloned.1.call-start
scs
__scs_entry_jumppad:
0x0: {  	(pc) =	sbr.rel $0x88, $3  }
0x1: {  	(tag) =	ssettag $0x0;
	lr =	simm.s32 $0x1  }
0x2: {  	[smem:$0x3F9A] =	sst lr;
	_ =	strace $0xD0000000  }
0x3: {  	_ = 	snop  }
0x4: {  	_ = 	snop  }
0x5: {  	_ = 	snop  }
0x6: {  	_ = 	snop  }
0x7: {  	_ = 	snop  }
__scs_overlays_trampoline_lowered:
0x8: {  	[smem:$0x3FA9] =	sst s0  }
0x9: {  	[smem:$0x3FAA] =	sst s1  }
0xa: {  	[smem:$0x3FAB] =	sst s2  }
0xb: {  	[smem:$0x3FAC] =	sst s3  }
0xc: {  	[smem:$0x3FAD] =	sst s4  }
0xd: {  	[smem:$0x3FAE] =	sst s5  }
0xe: {  	[smem:$0x3FAF] =	sst s6  }
0xf: {  	[smem:$0x3FB0] =	sst s7  }
0x10: {  	[smem:$0x3FB1] =	sst s8  }
0x11: {  	[smem:$0x3FB2] =	sst s9;
	s0 =	simm.s32 @!p0 $0x0  }
0x12: {  	s1 =	sld [smem:$0x3F98];
	s0 =	simm.s32 @p0 $0x1  }
0x13: {  	[smem:$0x3FB3] =	sst s0;
	s0 =	simm.s32 @!p1 $0x0  }
0x14: {  	s2 =	sld [smem:$0x3F97];
	s0 =	simm.s32 @p1 $0x1  }
0x15: {  	[smem:$0x3FB4] =	sst s0;
	s0 =	simm.s32 @!p2 $0x0  }
0x16: {  	s3 =	sld [smem:$0x3FDB];
	s0 =	simm.s32 @p2 $0x1  }
0x17: {  	s4 =	simm.s32 $0x1BF5;
	[smem:$0x3FB6] =	sst s0  }
0x18: {  	s0 =	sld [smem:$0x3F99];
	_ =	swait.ge [sflag:s4], $0x0  }
0x19: {  	s7 =	sld [smem:$0x3F9A]  }
0x1a: {  	s8 =	sadd.s32 $0xFFFFE003, lr  }
0x1b: {  	s9 =	sadd.s32 $0xFFFFFEF7, lr;
	s5 =	simm.s32 $0xFFFFFFFF;
	p2 =	slt.u32 s8, $0xFFFFF086  }
0x1c: {  	p1 =	slt.u32 s9, $0xF7A;
	s5 =	simm.s32 @!p2 $0x0  }
0x1d: {  	s5 =	simm.s32 @p1 $0x1;
	p0 =	seq.s32 s7, s2  }
0x1e: {  	s7 =	smul.u32 @!p0 $0xF7A, s2;
	p2 =	seq.s32 @!p0 s5, $0x0  }
0x1f: {  	s9 =	smul.u32 $0xF7A, s1;
	s8 =	simm.s32 @!p0 $0x1BF5;
	p2 =	por !p2, p0  }
0x20: {  	[sflag:s8] =	ssyncset.s32 @!p0 $0xFFFFF086;
	s6 =	sadd.s32 @!p0 s3, s7;
	s7 =	simm.s32 @!p0 $0x108  }
0x21: {  	s3 =	sadd.s32 s3, s9;
	s6 =	sadd.s32 @!p0 $0x88, s6;
	s7 =	simm.s32 @p2 $0x1082  }
0x22: {  	[simem:s7], [sflag:s8] =	dma.local @!p0 [hbm:s6], $0xF7A  }
0x23: {  	s9 =	sor.u32 $0xD0000000, s2;
	s6 =	simm.s32 $0x108;
	_ =	swait.ge @!p0 [sflag:s8], $0x0  }
0x24: {  	s3 =	sadd.s32 $0x88, s3;
	s6 =	simm.s32 @!p1 $0x1082;
	[sflag:s4] =	ssyncset.s32 $0xFFFFF086  }
0x25: {  	[simem:s6], [sflag:s4] =	dma.local [hbm:s3], $0xF7A  }
0x26: {  	[smem:$0x3F9A] =	sst s1;
	(tag) =	ssettag s2;
	_ =	strace s9  }
0x27: {  	s1 =	sld [smem:$0x3FAA]  }
0x28: {  	s2 =	sld [smem:$0x3FAB]  }
0x29: {  	s4 =	sld [smem:$0x3FAD]  }
0x2a: {  	p0 =	seq.s32 s5, $0x0;
	s5 =	sld [smem:$0x3FAE]  }
0x2b: {  	s6 =	sld [smem:$0x3FAF]  }
0x2c: {  	s7 =	sld [smem:$0x3FB0]  }
0x2d: {  	s3 =	simm.s32 $0x108;
	s8 =	sld [smem:$0x3FB1]  }
0x2e: {  	s3 =	simm.s32 @!p0 $0x1082;
	s9 =	sld [smem:$0x3FB2]  }
0x2f: {  	lr =	sadd.s32 s0, s3;
	s0 =	sld [smem:$0x3FA9]  }
0x30: {  	s3 =	sld [smem:$0x3FAC]  }
0x31: {  	[smem:$0x3FB5] =	sst s10  }
0x32: {  	s10 =	sld [smem:$0x3FB3];
	_ =	sdelay $0x3  }
0x33: {  	p0 =	seq.s32 s10, $0x1;
	s10 =	sld [smem:$0x3FB5];
	_ =	sdelay $0x3  }
0x34: {  	[smem:$0x3FB5] =	sst s10  }
0x35: {  	s10 =	sld [smem:$0x3FB4];
	_ =	sdelay $0x3  }
0x36: {  	p1 =	seq.s32 s10, $0x1;
	s10 =	sld [smem:$0x3FB5];
	_ =	sdelay $0x3  }
0x37: {  	[smem:$0x3FB5] =	sst s10  }
0x38: {  	s10 =	sld [smem:$0x3FB6]  }
0x39: {  	_ = 	snop;
	(pc) =	sbr.ind lr, $3  }
0x3a: {  	_ = 	snop  }
0x3b: {  	_ = 	snop  }
0x3c: {  	p2 =	seq.s32 s10, $0x1;
	s10 =	sld [smem:$0x3FB5]  }
0x3d: {  	_ =	shalt  }
0x3e: {  	_ =	shalt  }
0x3f: {  	_ =	shalt  }
0x40: {  	_ =	shalt  }
0x41: {  	_ =	shalt  }
0x42: {  	_ =	shalt  }
0x43: {  	_ =	shalt  }
0x44: {  	_ =	shalt  }
0x45: {  	_ =	shalt  }
0x46: {  	_ =	shalt  }
0x47: {  	_ =	shalt  }
0x48: {  	_ =	shalt  }
0x49: {  	_ =	shalt  }
0x4a: {  	_ =	shalt  }
0x4b: {  	_ =	shalt  }
0x4c: {  	_ =	shalt  }
0x4d: {  	_ =	shalt  }
0x4e: {  	_ =	shalt  }
0x4f: {  	_ =	shalt  }
0x50: {  	_ =	shalt  }
0x51: {  	_ =	shalt  }
0x52: {  	_ =	shalt  }
0x53: {  	_ =	shalt  }
0x54: {  	_ =	shalt  }
0x55: {  	_ =	shalt  }
0x56: {  	_ =	shalt  }
0x57: {  	_ =	shalt  }
0x58: {  	_ =	shalt  }
0x59: {  	_ =	shalt  }
0x5a: {  	_ =	shalt  }
0x5b: {  	_ =	shalt  }
0x5c: {  	_ =	shalt  }
0x5d: {  	_ =	shalt  }
0x5e: {  	_ =	shalt  }
0x5f: {  	_ =	shalt  }
0x60: {  	_ =	shalt  }
0x61: {  	_ =	shalt  }
0x62: {  	_ =	shalt  }
0x63: {  	_ =	shalt  }
0x64: {  	_ =	shalt  }
0x65: {  	_ =	shalt  }
0x66: {  	_ =	shalt  }
0x67: {  	_ =	shalt  }
0x68: {  	_ =	shalt  }
0x69: {  	_ =	shalt  }
0x6a: {  	_ =	shalt  }
0x6b: {  	_ =	shalt  }
0x6c: {  	_ =	shalt  }
0x6d: {  	_ =	shalt  }
0x6e: {  	_ =	shalt  }
0x6f: {  	_ =	shalt  }
0x70: {  	_ =	shalt  }
0x71: {  	_ =	shalt  }
0x72: {  	_ =	shalt  }
0x73: {  	_ =	shalt  }
0x74: {  	_ =	shalt  }
0x75: {  	_ =	shalt  }
0x76: {  	_ =	shalt  }
0x77: {  	_ =	shalt  }
0x78: {  	_ =	shalt  }
0x79: {  	_ =	shalt  }
0x7a: {  	_ =	shalt  }
0x7b: {  	_ =	shalt  }
0x7c: {  	_ =	shalt  }
0x7d: {  	_ =	shalt  }
0x7e: {  	_ =	shalt  }
0x7f: {  	_ =	shalt  }
0x80: {  	_ =	shalt  }
0x81: {  	_ =	shalt  }
0x82: {  	_ =	shalt  }
0x83: {  	_ =	shalt  }
0x84: {  	_ =	shalt  }
0x85: {  	_ =	shalt  }
0x86: {  	_ =	shalt  }
0x87: {  	_ =	shalt  }
.Lfunc_end0:
.L_simem_size_0:
called_computation_lowered:
.L_overlay_start_0:
0x88: {  	s2 =	sld [smem:$0x3FD9]  }
0x89: {  	s3 =	sld [smem:$0x3FFE];
	_ =	sdelay $0x1  }
0x8a: {  	s1 =	srdreg.scid  }
0x8b: {  	s0 =	sand.u32 $0x1, s1  }
0x8c: {  	s17 =	sshll.u32 s0, $0xA;
	s2 =	sadd.s32 s3, s2  }
0x8d: {  	s2 =	sadd.s32 s2, s17  }
0x8e: {  	[smem:$0x3FC1] =	sst s2  }
0x8f: {  	_ = 	snop  }
0x90: {  	s2 =	sld [smem:$0x3FD0];
	(tm) =	ssettm $0x1  }
0x91: {  	s18 =	sld [smem:$0x3FFB];
	_ =	sdelay $0x3  }
0x92: {  	_ =	strace s18  }
0x93: {  	s3 =	sld [smem:$0x3FFC];
	_ =	sdelay $0x3  }
0x94: {  	_ =	strace s3  }
0x95: {  	s3 =	sld [smem:$0x3FFD];
	_ =	sdelay $0x3  }
0x96: {  	_ =	strace s3  }
0x97: {  	_ =	strace $0x8FFFFFFF  }
0x98: {  	s19 =	sld [smem:$0x3FDB];
	_ =	sdelay $0x1  }
0x99: {  	s4 =	simm.s32 $_scs_section_size  }
0x9a: {  	s5 =	simm.s32 $_size__tile_overlayer_lowered;
	s6 =	simm.s32 $_tile_overlayer_lowered  }
0x9b: {  	s22 =	simm.s32 $0x1BFF;
	s21 =	sshll.u32 s6, $0x1;
	s3 =	sadd.s32 s4, s19  }
0x9c: {  	s7 =	simm.s32 $0x0;
	s20 =	sshll.u32 s5, $0x1;
	s5 =	sadd.s32 s21, s3  }
0x9d: {  	[timem:s7], [sflag:s22] =	dma.local [hbm:s5], s20  }
0x9e: {  	_ =	swait.ge [sflag:s22], s20  }
0x9f: {  	s4 =	ssub.s32 $0x0, s20;
	[sflag:s22] =	ssyncset.done $0x0  }
0xa0: {  	[sflag:s22] =	ssyncadd.s32 s4;
	_ =	sdelay $0x1  }
0xa1: {  	s23 =	simm.s32 $0x1B8B  }
0xa2: {  	_ =	swait.ge [sflag:s23], $0x1  }
0xa3: {  	[sflag:s23] =	ssyncset.done $0x0  }
0xa4: {  	s25 =	simm.s32 $0x1B8E;
	s24 =	sld [smem:$0x3FFE];
	[sflag:s23] =	ssyncadd.s32 $0xFFFFFFFF  }
0xa5: {  	s26 =	simm.s32 $execute0_lowered;
	[smem:$0x3FD2] =	sst s25  }
0xa6: {  	s5 =	sshll.u32 s26, $0x1;
	_ =	strace $0x80000046;
	[dreg:$0x1] =	wrdreg $0xFFFFFFFF  }
0xa7: {  	s28 =	simm.s32 $_size_execute0_lowered;
	s3 =	sadd.s32 s3, s5;
	[dreg:$0x0] =	wrdreg $0x0  }
0xa8: {  	s5 =	sshll.u32 s28, $0x1;
	[dreg:$0x2] =	wrdreg s3  }
0xa9: {  	[dreg:$0x3] =	wrdreg s5  }
0xaa: {  	[dreg:$0x4] =	wrdreg $0xC0  }
0xab: {  	_ =	task [dreg:s7], $0x5FFFF  }
0xac: {  	[dreg:$0x1] =	wrdreg $0xFFFFFFFF  }
0xad: {  	[dreg:$0x0] =	wrdreg $0x60  }
0xae: {  	[dreg:$0x2] =	wrdreg s24  }
0xaf: {  	[dreg:$0x3] =	wrdreg s2  }
0xb0: {  	[dreg:$0x4] =	wrdreg $0x50000  }
0xb1: {  	[dreg:$0x5] =	wrdreg $0x9  }
0xb2: {  	_ =	task.clear_ibuf [dreg:s7], $0x6FFFF;
	_ =	strace $0x90000046  }
0xb3: {  	s29 =	simm.s32 $0x9;
	_ =	strace $0x80000048  }
0xb4: {  	_ =	swait.ge [sflag:s29], $0x1  }
0xb5: {  	[sflag:s29] =	ssyncadd.s32 $0xFFFFFFFF  }
0xb6: {  	_ =	strace $0x90000048  }
0xb7: {  	_ =	sfence  }
0xb8: {  	s30 =	sld [smem:$0x0];
	_ =	sdelay $0x2  }
0xb9: {  	s31 =	sshll.u32 s1, $0xD;
	s1 =	sshrl.u32 s1, $0x2  }
0xba: {  	s3 =	sand.u32 $0x4000, s31;
	s1 =	sadd.s32 s1, s30  }
0xbb: {  	s0 =	sor.u32 s3, s0;
	s1 =	sshll.u32 s1, $0x11  }
0xbc: {  	s0 =	sor.u32 s1, s0  }
0xbd: {  	s0 =	sadd.s32 $0x8F2B, s0  }
0xbe: {  	[sflag:s0] =	ssyncadd.remote.s32 $0x1  }
0xbf: {  	_ =	sfence.sel $0xFFFF  }
0xc0: {  	[dreg:$0x0] =	wrdreg $0xFFFFFFFF;
	(pc) =	sbr.abs _section_cstart, $3  }
0xc1: {  	[dreg:$0x1] =	wrdreg $0xFFFFFFFF  }
0xc2: {  	_ =	task.clear_ibuf [dreg:s7], $0x2FFFF;
	_ =	strace $0x9FFFFFFF  }
0xc3: {  	(tm) =	ssettm $0x7FFFFFFF  }
tec
execute0_lowered:
.L_overlay_start_1:
0x0: {  	(tag) =	ssettag $0x1  }
0x1: {  	s3 =	rddreg [dreg:$0x0]  }
0x2: {  	s0 =	srdreg.scid;
	s4 =	rddreg [dreg:$0x1]  }
0x3: {  	s1 =	rddreg [dreg:$0x2];
	s6 =	stileid.u32;
	s10 =	simm.s32 $0x2  }
0x4: {  	s11 =	simm.s32 $0x3;
	s12 =	simm.s32 $0x2800;
	s13 =	simm.s32 $0x0  }
0x5: {  	s5 =	sand.u32 $0x1, s0;
	s0 =	rddreg [dreg:$0x3];
	p0 =	sne.s32 s6, $0x0  }
0x6: {  	s2 =	sshll.u32 s5, $0x4;
	s8 =	ssub.s32 $0x2, s5;
	s5 =	smul.u32 $0x4E2, s5  }
0x7: {  	s7 =	sor.u32 s6, s2;
	s2 =	simm.s32 $0x0;
	s9 =	sshrl.u32 s8, $0x1  }
0x8: {  	s6 =	simm.s32 $0x80;
	s7 =	smul.u32 $0x500, s7;
	[smem:$0x7FF] =	sst s2  }
0x9: {  	s31 =	ssub.s32 s8, s9;
	s4 =	sadd.s32 s4, s5;
	s8 =	simm.s32 $0x4  }
0xa: {  	s9 =	simm.s32 $0x1;
	_ =	strace $0x80000047;
	s3 =	sadd.s32 s7, s3  }
0xb: {  	v0 =	vimm.f32 $1.000000000e+00;
	v1 =	vimm.f32 $0.0e+00;
	s5 =	smax.u32 s31, $0x1;
	s7 =	simm.s32 $0x2880;
	s3 =	sadd.s32 $0x2800, s3  }
.LBB2_1:
0xc: {  	[tilespmem:s6], [sflag:$0x1] =	stream.linear.gather [hbm4b:s3+s2], $0x2800, $0x38;
	[tilespmem:$0x5280] =	vst v63  }
0xd: {  	[tilespmem:$0x0] =	vst v0  }
0xe: {  	[tilespmem:$0x10] =	vst v0  }
0xf: {  	[tilespmem:$0x20] =	vst v0  }
.Ltmp0:
0x10: {  	[tilespmem:$0x30] =	vst v0;
	(pc) =	sbr.rel @p0 .LBB2_5-.Ltmp0, $4  }
0x11: {  	[tilespmem:$0x40] =	vst v0  }
0x12: {  	[tilespmem:$0x50] =	vst v0  }
0x13: {  	[tilespmem:$0x60] =	vst v0  }
0x14: {  	[tilespmem:$0x70] =	vst v0  }
0x15: {  	s14 =	simm.s32 $0x40;
	s15 =	simm.s32 $0x0  }
.LBB2_3:
0x16: {  	p1 =	sne.s32 s14, $0x9C00;
	[tilespmem:s15+$0x2880] =	vst v1;
	s15 =	smov.u32 s14;
	s14 =	sadd.s32 $0x40, s14  }
.Ltmp1:
0x17: {  	(pc) =	sbr.rel @p1 .LBB2_3-.Ltmp1, $2  }
0x18: {  	_ =	sdelay $0x2  }
0x19: {  	s15 =	sshra.s32 s15, $0x2  }
0x1a: {  	[tilespmem:s15+$0x2880] =	vst v1  }
0x1b: {  	[spmem:s1] =	stream.linear.scatter [tilespmem:s7], [sflag:$0x4], $0x2710, $0x38;
	[tilespmem:$0x5280] =	vst v63  }
0x1c: {  	_ =	swait.ge [sflag:s8], $0x2710  }
0x1d: {  	[sflag:s8] =	ssyncset.done $0x0  }
0x1e: {  	[sflag:s8] =	ssyncadd.s32 $0xFFFFD8F0  }
.LBB2_5:
0x1f: {  	_ =	swait.ge [sflag:s9], $0x2800  }
0x20: {  	[sflag:s9] =	ssyncset.done $0x0  }
0x21: {  	[sflag:s9] =	ssyncadd.s32 $0xFFFFD800  }
0x22: {  	[bflag:$0x0] =	sbarrier.arrive $0xFFFF  }
0x23: {  	[spmem:s1] =	stream.indirect.scatter.add.f32 [tilespmem:s2], [sflag:$0x2], $0x1, s6, s6, $0xb8;
	[tilespmem:$0x5280] =	vst v63  }
0x24: {  	s14 =	simm.s32 $0x100  }
0x25: {  	[spmem:s1] =	stream.indirect.scatter.add.f32 [tilespmem:s2], [sflag:$0x3], $0x1, s14, s6, $0xb8;
	[tilespmem:$0x5280] =	vst v63  }
0x26: {  	_ =	swait.ge [sflag:s10], $0x80  }
0x27: {  	[sflag:s10] =	ssyncset.done $0x0  }
0x28: {  	s31 =	simm.s32 $0x180;
	[sflag:s10] =	ssyncadd.s32 $0xFFFFFF80  }
0x29: {  	[spmem:s1] =	stream.indirect.scatter.add.f32 [tilespmem:s2], [sflag:$0x2], $0x1, s31, s6, $0xb8;
	[tilespmem:$0x5280] =	vst v63  }
0x2a: {  	_ =	swait.ge [sflag:s11], $0x80  }
0x2b: {  	s15 =	simm.s32 $0xFFFF6C00;
	s14 =	simm.s32 $0xFFFFDA00;
	[sflag:s11] =	ssyncset.done $0x0  }
.LBB2_6:
0x2c: {  	s16 =	sadd.s32 $0x2800, s14  }
0x2d: {  	[sflag:s11] =	ssyncadd.s32 $0xFFFFFF80;
	s17 =	smov.u32 s15;
	s18 =	sadd.s32 $0x400, s15  }
0x2e: {  	[spmem:s1] =	stream.indirect.scatter.add.f32 [tilespmem:s2], [sflag:$0x3], $0x1, s16, s6, $0xb8;
	[tilespmem:$0x5280] =	vst v63  }
0x2f: {  	p1 =	sne.s32 s15, $0xFFFFFC00;
	_ =	swait.ge [sflag:s10], $0x80  }
.Ltmp2:
0x30: {  	[sflag:s10] =	ssyncset.done $0x0;
	(pc) =	sbr.rel @p1 .LBB2_6-.Ltmp2, $4  }
0x31: {  	s14 =	sadd.s32 $0x2880, s14;
	[sflag:s10] =	ssyncadd.s32 $0xFFFFFF80  }
0x32: {  	[spmem:s1] =	stream.indirect.scatter.add.f32 [tilespmem:s2], [sflag:$0x2], $0x1, s14, s6, $0xb8;
	[tilespmem:$0x5280] =	vst v63  }
0x33: {  	_ =	swait.ge [sflag:s11], $0x80  }
0x34: {  	s15 =	smov.u32 s18;
	s14 =	sshra.s32 s17, $0x2;
	[sflag:s11] =	ssyncset.done $0x0  }
0x35: {  	s15 =	sadd.s32 $0x2800, s14;
	[sflag:s11] =	ssyncadd.s32 $0xFFFFFF80  }
0x36: {  	[spmem:s1] =	stream.indirect.scatter.add.f32 [tilespmem:s2], [sflag:$0x3], $0x1, s15, s6, $0xb8;
	[tilespmem:$0x5280] =	vst v63  }
0x37: {  	_ =	swait.ge [sflag:s10], $0x80  }
0x38: {  	[sflag:s10] =	ssyncset.done $0x0  }
0x39: {  	s31 =	sadd.s32 $0x2880, s14;
	[sflag:s10] =	ssyncadd.s32 $0xFFFFFF80  }
0x3a: {  	[spmem:s1] =	stream.indirect.scatter.add.f32 [tilespmem:s2], [sflag:$0x2], $0x1, s31, s6, $0xb8;
	[tilespmem:$0x5280] =	vst v63  }
0x3b: {  	_ =	swait.ge [sflag:s11], $0x80  }
0x3c: {  	[sflag:s11] =	ssyncset.done $0x0  }
0x3d: {  	[sflag:s11] =	ssyncadd.s32 $0xFFFFFF80  }
0x3e: {  	[spmem:s1] =	stream.indirect.scatter.add.f32 [tilespmem:s2], [sflag:$0x3], $0x1, s12, s6, $0xb8;
	[tilespmem:$0x5280] =	vst v63  }
0x3f: {  	_ =	swait.ge [sflag:s10], $0x80  }
0x40: {  	[sflag:s10] =	ssyncset.done $0x0  }
0x41: {  	[sflag:s10] =	ssyncadd.s32 $0xFFFFFF80  }
0x42: {  	_ =	swait.ge [sflag:s11], $0x80  }
0x43: {  	[sflag:s11] =	ssyncset.done $0x0  }
0x44: {  	[sflag:s11] =	ssyncadd.s32 $0xFFFFFF80  }
0x45: {  	s14 =	simm.s32 @!p0 $0x2880;
	s15 =	simm.s32 @!p0 $0x4;
	[bflag:$0x0] =	sbarrier.arrive $0xFFFF  }
0x46: {  	[tilespmem:s14], [sflag:$0x4] =	stream.linear.gather @!p0 [spmem:s1], $0x2710, $0x38;
	[tilespmem:$0x5280] =	vst v63  }
0x47: {  	s13 =	sadd.s32 $0x1, s13;
	_ =	swait.ge @!p0 [sflag:s15], $0x2710  }
0x48: {  	p1 =	sne.s32 s13, s5;
	[sflag:s15] =	ssyncset.done @!p0 $0x0  }
.Ltmp3:
0x49: {  	s16 =	simm.s32 @!p0 $0x0;
	[sflag:s15] =	ssyncadd.s32 @!p0 $0xFFFFD8F0;
	(pc) =	sbr.rel @p1 .LBB2_1-.Ltmp3, $4  }
0x4a: {  	[hbm4b:s4+s16] =	stream.linear.scatter @!p0 [tilespmem:s14], [sflag:$0x4], $0x2710, $0x38;
	[tilespmem:$0x5280] =	vst v63  }
0x4b: {  	_ =	swait.ge @!p0 [sflag:s15], $0x2710  }
0x4c: {  	[sflag:s15] =	ssyncset.done @!p0 $0x0  }
0x4d: {  	[sflag:s15] =	ssyncadd.s32 @!p0 $0xFFFFD8F0  }
0x4e: {  	_ =	sfence.sel $0x180000  }
0x4f: {  	[bflag:$0x0] =	sbarrier.arrive $0xFFFF  }
0x50: {  	_ =	strace $0x90000047  }
0x51: {  	s0 =	sadd.s32 @!p0 $0x100000, s0;
	[bflag:$0x2] =	sbarrier.arrive $0xFFFF  }
0x52: {  	[sflag:s0] =	ssyncadd.tile.s32 @!p0 $0x1;
	_ =	shalt  }
.Lfunc_end2:
_tile_overlayer_lowered:
.L_overlay_start_2:
0x53: {  	(tag) =	ssettag $0x2  }
0x54: {  	s0 =	rddreg [dreg:$0x0];
	s2 =	stileid.u32  }
0x55: {  	s1 =	rddreg [dreg:$0x1];
	p0 =	sne.s32 s2, $0x0  }
0x56: {  	s3 =	rddreg [dreg:$0x2];
	[bflag:$0x3] =	sbarrier.arrive $0xFFFF;
	s2 =	simm.s32 @!p0 $0x1C04  }
0x57: {  	[timem:s3], [sflag:s2] =	dma.local @!p0 [hbm:s0], s1  }
0x58: {  	s0 =	simm.s32 @!p0 $0x4  }
0x59: {  	_ =	swait.ge @!p0 [sflag:s0], s1  }
0x5a: {  	s1 =	ssub.s32 @!p0 $0x0, s1;
	[sflag:s0] =	ssyncset.done @!p0 $0x0  }
0x5b: {  	[sflag:s0] =	ssyncadd.s32 @!p0 s1  }
0x5c: {  	[bflag:$0x3] =	sbarrier.arrive $0xFFFF  }
0x5d: {  	_ =	shalt  }

// kernel: propagate.4.cloned.1.call-start
scs
__scs_entry_jumppad:
0x0: {  	(pc) =	sbr.rel $0x88, $3  }
0x1: {  	(tag) =	ssettag $0x0;
	lr =	simm.s32 $0x1  }
0x2: {  	[smem:$0x3F9A] =	sst lr;
	_ =	strace $0xD0000000  }
0x3: {  	_ = 	snop  }
0x4: {  	_ = 	snop  }
0x5: {  	_ = 	snop  }
0x6: {  	_ = 	snop  }
0x7: {  	_ = 	snop  }
__scs_overlays_trampoline_lowered:
0x8: {  	[smem:$0x3FA9] =	sst s0  }
0x9: {  	[smem:$0x3FAA] =	sst s1  }
0xa: {  	[smem:$0x3FAB] =	sst s2  }
0xb: {  	[smem:$0x3FAC] =	sst s3  }
0xc: {  	[smem:$0x3FAD] =	sst s4  }
0xd: {  	[smem:$0x3FAE] =	sst s5  }
0xe: {  	[smem:$0x3FAF] =	sst s6  }
0xf: {  	[smem:$0x3FB0] =	sst s7  }
0x10: {  	[smem:$0x3FB1] =	sst s8  }
0x11: {  	[smem:$0x3FB2] =	sst s9;
	s0 =	simm.s32 @!p0 $0x0  }
0x12: {  	s1 =	sld [smem:$0x3F98];
	s0 =	simm.s32 @p0 $0x1  }
0x13: {  	[smem:$0x3FB3] =	sst s0;
	s0 =	simm.s32 @!p1 $0x0  }
0x14: {  	s2 =	sld [smem:$0x3F97];
	s0 =	simm.s32 @p1 $0x1  }
0x15: {  	[smem:$0x3FB4] =	sst s0;
	s0 =	simm.s32 @!p2 $0x0  }
0x16: {  	s3 =	sld [smem:$0x3FDB];
	s0 =	simm.s32 @p2 $0x1  }
0x17: {  	s4 =	simm.s32 $0x1BF5;
	[smem:$0x3FB6] =	sst s0  }
0x18: {  	s0 =	sld [smem:$0x3F99];
	_ =	swait.ge [sflag:s4], $0x0  }
0x19: {  	s7 =	sld [smem:$0x3F9A]  }
0x1a: {  	s8 =	sadd.s32 $0xFFFFE003, lr  }
0x1b: {  	s9 =	sadd.s32 $0xFFFFFEF7, lr;
	s5 =	simm.s32 $0xFFFFFFFF;
	p2 =	slt.u32 s8, $0xFFFFF086  }
0x1c: {  	p1 =	slt.u32 s9, $0xF7A;
	s5 =	simm.s32 @!p2 $0x0  }
0x1d: {  	s5 =	simm.s32 @p1 $0x1;
	p0 =	seq.s32 s7, s2  }
0x1e: {  	s7 =	smul.u32 @!p0 $0xF7A, s2;
	p2 =	seq.s32 @!p0 s5, $0x0  }
0x1f: {  	s9 =	smul.u32 $0xF7A, s1;
	s8 =	simm.s32 @!p0 $0x1BF5;
	p2 =	por !p2, p0  }
0x20: {  	[sflag:s8] =	ssyncset.s32 @!p0 $0xFFFFF086;
	s6 =	sadd.s32 @!p0 s3, s7;
	s7 =	simm.s32 @!p0 $0x108  }
0x21: {  	s3 =	sadd.s32 s3, s9;
	s6 =	sadd.s32 @!p0 $0x88, s6;
	s7 =	simm.s32 @p2 $0x1082  }
0x22: {  	[simem:s7], [sflag:s8] =	dma.local @!p0 [hbm:s6], $0xF7A  }
0x23: {  	s9 =	sor.u32 $0xD0000000, s2;
	s6 =	simm.s32 $0x108;
	_ =	swait.ge @!p0 [sflag:s8], $0x0  }
0x24: {  	s3 =	sadd.s32 $0x88, s3;
	s6 =	simm.s32 @!p1 $0x1082;
	[sflag:s4] =	ssyncset.s32 $0xFFFFF086  }
0x25: {  	[simem:s6], [sflag:s4] =	dma.local [hbm:s3], $0xF7A  }
0x26: {  	[smem:$0x3F9A] =	sst s1;
	(tag) =	ssettag s2;
	_ =	strace s9  }
0x27: {  	s1 =	sld [smem:$0x3FAA]  }
0x28: {  	s2 =	sld [smem:$0x3FAB]  }
0x29: {  	s4 =	sld [smem:$0x3FAD]  }
0x2a: {  	p0 =	seq.s32 s5, $0x0;
	s5 =	sld [smem:$0x3FAE]  }
0x2b: {  	s6 =	sld [smem:$0x3FAF]  }
0x2c: {  	s7 =	sld [smem:$0x3FB0]  }
0x2d: {  	s3 =	simm.s32 $0x108;
	s8 =	sld [smem:$0x3FB1]  }
0x2e: {  	s3 =	simm.s32 @!p0 $0x1082;
	s9 =	sld [smem:$0x3FB2]  }
0x2f: {  	lr =	sadd.s32 s0, s3;
	s0 =	sld [smem:$0x3FA9]  }
0x30: {  	s3 =	sld [smem:$0x3FAC]  }
0x31: {  	[smem:$0x3FB5] =	sst s10  }
0x32: {  	s10 =	sld [smem:$0x3FB3];
	_ =	sdelay $0x3  }
0x33: {  	p0 =	seq.s32 s10, $0x1;
	s10 =	sld [smem:$0x3FB5];
	_ =	sdelay $0x3  }
0x34: {  	[smem:$0x3FB5] =	sst s10  }
0x35: {  	s10 =	sld [smem:$0x3FB4];
	_ =	sdelay $0x3  }
0x36: {  	p1 =	seq.s32 s10, $0x1;
	s10 =	sld [smem:$0x3FB5];
	_ =	sdelay $0x3  }
0x37: {  	[smem:$0x3FB5] =	sst s10  }
0x38: {  	s10 =	sld [smem:$0x3FB6]  }
0x39: {  	_ = 	snop;
	(pc) =	sbr.ind lr, $3  }
0x3a: {  	_ = 	snop  }
0x3b: {  	_ = 	snop  }
0x3c: {  	p2 =	seq.s32 s10, $0x1;
	s10 =	sld [smem:$0x3FB5]  }
0x3d: {  	_ =	shalt  }
0x3e: {  	_ =	shalt  }
0x3f: {  	_ =	shalt  }
0x40: {  	_ =	shalt  }
0x41: {  	_ =	shalt  }
0x42: {  	_ =	shalt  }
0x43: {  	_ =	shalt  }
0x44: {  	_ =	shalt  }
0x45: {  	_ =	shalt  }
0x46: {  	_ =	shalt  }
0x47: {  	_ =	shalt  }
0x48: {  	_ =	shalt  }
0x49: {  	_ =	shalt  }
0x4a: {  	_ =	shalt  }
0x4b: {  	_ =	shalt  }
0x4c: {  	_ =	shalt  }
0x4d: {  	_ =	shalt  }
0x4e: {  	_ =	shalt  }
0x4f: {  	_ =	shalt  }
0x50: {  	_ =	shalt  }
0x51: {  	_ =	shalt  }
0x52: {  	_ =	shalt  }
0x53: {  	_ =	shalt  }
0x54: {  	_ =	shalt  }
0x55: {  	_ =	shalt  }
0x56: {  	_ =	shalt  }
0x57: {  	_ =	shalt  }
0x58: {  	_ =	shalt  }
0x59: {  	_ =	shalt  }
0x5a: {  	_ =	shalt  }
0x5b: {  	_ =	shalt  }
0x5c: {  	_ =	shalt  }
0x5d: {  	_ =	shalt  }
0x5e: {  	_ =	shalt  }
0x5f: {  	_ =	shalt  }
0x60: {  	_ =	shalt  }
0x61: {  	_ =	shalt  }
0x62: {  	_ =	shalt  }
0x63: {  	_ =	shalt  }
0x64: {  	_ =	shalt  }
0x65: {  	_ =	shalt  }
0x66: {  	_ =	shalt  }
0x67: {  	_ =	shalt  }
0x68: {  	_ =	shalt  }
0x69: {  	_ =	shalt  }
0x6a: {  	_ =	shalt  }
0x6b: {  	_ =	shalt  }
0x6c: {  	_ =	shalt  }
0x6d: {  	_ =	shalt  }
0x6e: {  	_ =	shalt  }
0x6f: {  	_ =	shalt  }
0x70: {  	_ =	shalt  }
0x71: {  	_ =	shalt  }
0x72: {  	_ =	shalt  }
0x73: {  	_ =	shalt  }
0x74: {  	_ =	shalt  }
0x75: {  	_ =	shalt  }
0x76: {  	_ =	shalt  }
0x77: {  	_ =	shalt  }
0x78: {  	_ =	shalt  }
0x79: {  	_ =	shalt  }
0x7a: {  	_ =	shalt  }
0x7b: {  	_ =	shalt  }
0x7c: {  	_ =	shalt  }
0x7d: {  	_ =	shalt  }
0x7e: {  	_ =	shalt  }
0x7f: {  	_ =	shalt  }
0x80: {  	_ =	shalt  }
0x81: {  	_ =	shalt  }
0x82: {  	_ =	shalt  }
0x83: {  	_ =	shalt  }
0x84: {  	_ =	shalt  }
0x85: {  	_ =	shalt  }
0x86: {  	_ =	shalt  }
0x87: {  	_ =	shalt  }
.Lfunc_end0:
.L_simem_size_0:
called_computation.1_lowered:
.L_overlay_start_0:
0x88: {  	s2 =	sld [smem:$0x3FD9]  }
0x89: {  	s3 =	sld [smem:$0x3FFE];
	_ =	sdelay $0x1  }
0x8a: {  	s1 =	srdreg.scid  }
0x8b: {  	s0 =	sand.u32 $0x1, s1  }
0x8c: {  	s17 =	sshll.u32 s0, $0xA;
	s2 =	sadd.s32 s3, s2  }
0x8d: {  	s2 =	sadd.s32 s2, s17  }
0x8e: {  	[smem:$0x3FC1] =	sst s2  }
0x8f: {  	_ = 	snop  }
0x90: {  	s2 =	sld [smem:$0x3FD0];
	(tm) =	ssettm $0x1  }
0x91: {  	s18 =	sld [smem:$0x3FFB];
	_ =	sdelay $0x3  }
0x92: {  	_ =	strace s18  }
0x93: {  	s3 =	sld [smem:$0x3FFC];
	_ =	sdelay $0x3  }
0x94: {  	_ =	strace s3  }
0x95: {  	s3 =	sld [smem:$0x3FFD];
	_ =	sdelay $0x3  }
0x96: {  	_ =	strace s3  }
0x97: {  	_ =	strace $0x8FFFFFFF  }
0x98: {  	s19 =	sld [smem:$0x3FDB];
	_ =	sdelay $0x1  }
0x99: {  	s4 =	simm.s32 $_scs_section_size  }
0x9a: {  	s5 =	simm.s32 $_size__tile_overlayer_lowered;
	s6 =	simm.s32 $_tile_overlayer_lowered  }
0x9b: {  	s22 =	simm.s32 $0x1BFF;
	s21 =	sshll.u32 s6, $0x1;
	s3 =	sadd.s32 s4, s19  }
0x9c: {  	s7 =	simm.s32 $0x0;
	s20 =	sshll.u32 s5, $0x1;
	s5 =	sadd.s32 s21, s3  }
0x9d: {  	[timem:s7], [sflag:s22] =	dma.local [hbm:s5], s20  }
0x9e: {  	_ =	swait.ge [sflag:s22], s20  }
0x9f: {  	s4 =	ssub.s32 $0x0, s20;
	[sflag:s22] =	ssyncset.done $0x0  }
0xa0: {  	[sflag:s22] =	ssyncadd.s32 s4;
	_ =	sdelay $0x1  }
0xa1: {  	s23 =	simm.s32 $0x1B8B  }
0xa2: {  	_ =	swait.ge [sflag:s23], $0x1  }
0xa3: {  	[sflag:s23] =	ssyncset.done $0x0  }
0xa4: {  	s25 =	simm.s32 $0x1B8E;
	s24 =	sld [smem:$0x3FFE];
	[sflag:s23] =	ssyncadd.s32 $0xFFFFFFFF  }
0xa5: {  	s26 =	simm.s32 $execute0_lowered;
	[smem:$0x3FD2] =	sst s25  }
0xa6: {  	s5 =	sshll.u32 s26, $0x1;
	_ =	strace $0x80000049;
	[dreg:$0x1] =	wrdreg $0xFFFFFFFF  }
0xa7: {  	s28 =	simm.s32 $_size_execute0_lowered;
	s3 =	sadd.s32 s3, s5;
	[dreg:$0x0] =	wrdreg $0x0  }
0xa8: {  	s5 =	sshll.u32 s28, $0x1;
	[dreg:$0x2] =	wrdreg s3  }
0xa9: {  	[dreg:$0x3] =	wrdreg s5  }
0xaa: {  	[dreg:$0x4] =	wrdreg $0xC0  }
0xab: {  	_ =	task [dreg:s7], $0x5FFFF  }
0xac: {  	[dreg:$0x1] =	wrdreg $0xFFFFFFFF  }
0xad: {  	[dreg:$0x0] =	wrdreg $0x60  }
0xae: {  	[dreg:$0x2] =	wrdreg s2  }
0xaf: {  	[dreg:$0x3] =	wrdreg s24  }
0xb0: {  	[dreg:$0x4] =	wrdreg $0x82000  }
0xb1: {  	[dreg:$0x5] =	wrdreg $0x9  }
0xb2: {  	_ =	task.clear_ibuf [dreg:s7], $0x6FFFF;
	_ =	strace $0x90000049  }
0xb3: {  	s29 =	simm.s32 $0x9;
	_ =	strace $0x8000004B  }
0xb4: {  	_ =	swait.ge [sflag:s29], $0x1  }
0xb5: {  	[sflag:s29] =	ssyncadd.s32 $0xFFFFFFFF  }
0xb6: {  	_ =	strace $0x9000004B  }
0xb7: {  	_ =	sfence  }
0xb8: {  	s30 =	sld [smem:$0x0];
	_ =	sdelay $0x2  }
0xb9: {  	s31 =	sshll.u32 s1, $0xD;
	s1 =	sshrl.u32 s1, $0x2  }
0xba: {  	s3 =	sand.u32 $0x4000, s31;
	s1 =	sadd.s32 s1, s30  }
0xbb: {  	s0 =	sor.u32 s3, s0;
	s1 =	sshll.u32 s1, $0x11  }
0xbc: {  	s0 =	sor.u32 s1, s0  }
0xbd: {  	s0 =	sadd.s32 $0x8F2B, s0  }
0xbe: {  	[sflag:s0] =	ssyncadd.remote.s32 $0x1  }
0xbf: {  	_ =	sfence.sel $0xFFFF  }
0xc0: {  	[dreg:$0x0] =	wrdreg $0xFFFFFFFF;
	(pc) =	sbr.abs _section_cstart, $3  }
0xc1: {  	[dreg:$0x1] =	wrdreg $0xFFFFFFFF  }
0xc2: {  	_ =	task.clear_ibuf [dreg:s7], $0x2FFFF;
	_ =	strace $0x9FFFFFFF  }
0xc3: {  	(tm) =	ssettm $0x7FFFFFFF  }
tec
execute0_lowered:
.L_overlay_start_1:
0x0: {  	(tag) =	ssettag $0x1  }
0x1: {  	s1 =	rddreg [dreg:$0x0]  }
0x2: {  	s0 =	rddreg [dreg:$0x1]  }
0x3: {  	s2 =	rddreg [dreg:$0x2]  }
0x4: {  	s3 =	srdreg.scid;
	s4 =	simm.s32 $0x0;
	s20 =	stileid.u32  }
0x5: {  	s28 =	simm.s32 $0x4200;
	s29 =	simm.s32 $0x4;
	s30 =	simm.s32 $0x5  }
0x6: {  	s31 =	simm.s32 $0x6;
	s3 =	sand.u32 $0x1, s3;
	s10 =	smul.u32 $0x4F000, s20  }
0x7: {  	[smem:$0x7FF] =	sst s4;
	s6 =	sadd.s32 $0xC800, s0;
	s11 =	smul.u32 $0x2780, s20  }
0x8: {  	s7 =	sadd.s32 $0x2800, s0;
	s0 =	sadd.s32 $0x16800, s0;
	s14 =	smul.u32 $0x13C00, s20  }
0x9: {  	s24 =	smul.u32 $0x2800, s20;
	s12 =	sadd.s32 $0x25080, s1;
	p0 =	seq.s32 s20, $0xF  }
0xa: {  	s5 =	sshll.u32 s3, $0x4;
	_ =	strace $0x8000004A;
	s13 =	smul.u32 $0x138800, s3  }
0xb: {  	s8 =	ssub.s32 $0x2, s3;
	s3 =	smul.u32 $0x28000, s3;
	s5 =	sor.u32 s20, s5  }
0xc: {  	s9 =	sshrl.u32 s8, $0x1;
	s22 =	sshrl.u32 s10, $0x2;
	s10 =	sadd.s32 s1, s11  }
0xd: {  	s11 =	sadd.s32 $0x128400, s2;
	s20 =	simm.s32 $0x100;
	s5 =	smul.u32 $0x2800, s5  }
0xe: {  	s8 =	ssub.s32 s8, s9;
	s23 =	sadd.s32 s22, s2;
	s14 =	sadd.s32 s14, s13  }
0xf: {  	s13 =	sshrl.u32 s13, $0x3;
	s3 =	sadd.s32 s24, s3;
	s22 =	simm.s32 $0x180  }
0x10: {  	s24 =	simm.s32 $0x200;
	[dreg:$0x8] =	wrdreg s23;
	s14 =	sshrl.u32 s14, $0x3  }
0x11: {  	s15 =	sadd.s32 s0, s13;
	s25 =	sor.u32 $0x180, s3;
	s3 =	sor.u32 $0x100, s3  }
0x12: {  	s23 =	simm.s32 $0x1;
	s5 =	sshrl.u32 s5, $0x3;
	s13 =	sadd.s32 s0, s14  }
0x13: {  	s14 =	sadd.s32 $0x25080, s15;
	s15 =	smax.u32 s8, $0x1;
	s0 =	sshrl.u32 s25, $0x3  }
0x14: {  	s26 =	sshrl.u32 s3, $0x3;
	s25 =	simm.s32 $0x3;
	s18 =	sadd.s32 s6, s5  }
0x15: {  	s19 =	sadd.s32 s7, s5;
	s5 =	sor.u32 $0x10, s5;
	s16 =	sadd.s32 s0, s7  }
0x16: {  	s17 =	sadd.s32 s0, s6;
	s0 =	simm.s32 $0x0;
	[dreg:$0x4] =	wrdreg s18  }
0x17: {  	[dreg:$0x5] =	wrdreg s19;
	s21 =	sadd.s32 s6, s5;
	s5 =	sadd.s32 s7, s5  }
0x18: {  	s18 =	sadd.s32 s26, s7;
	s19 =	sadd.s32 s26, s6;
	[dreg:$0x6] =	wrdreg s21  }
0x19: {  	s26 =	simm.s32 $0x2;
	[dreg:$0x7] =	wrdreg s5;
	s21 =	simm.s32 $0x80  }
.LBB2_1:
0x1a: {  	s3 =	rddreg [dreg:$0x4]  }
0x1b: {  	[tilespmem:s4], [sflag:$0x1] =	stream.linear.gather [hbm4b:s3+s4], $0x80, $0x38;
	[tilespmem:$0x1BE80] =	vst v63  }
0x1c: {  	s6 =	rddreg [dreg:$0x5]  }
0x1d: {  	[tilespmem:s20], [sflag:$0x1] =	stream.linear.gather [hbm4b:s6+s4], $0x80, $0x38;
	[tilespmem:$0x1BE80] =	vst v63  }
0x1e: {  	s7 =	rddreg [dreg:$0x6]  }
0x1f: {  	[tilespmem:s21], [sflag:$0x2] =	stream.linear.gather [hbm4b:s7+s4], $0x80, $0x38;
	[tilespmem:$0x1BE80] =	vst v63  }
0x20: {  	s8 =	rddreg [dreg:$0x7];
	s5 =	simm.s32 @p0 $0x1FC7;
	s3 =	sshrl.u32 @p0 s11, $0x3  }
0x21: {  	[tilespmem:s22], [sflag:$0x2] =	stream.linear.gather [hbm4b:s8+s4], $0x80, $0x38;
	[tilespmem:$0x1BE80] =	vst v63  }
0x22: {  	[spmem:s3], [sflag:s5] =	dma.local @p0 [hbm:s12], $0x2080  }
0x23: {  	s5 =	simm.s32 @p0 $0x7  }
0x24: {  	s6 =	stileid.u32;
	_ =	swait.ge @p0 [sflag:s5], $0x2080  }
0x25: {  	s6 =	sshll.u32 @!p0 s6, $0x6;
	[sflag:s5] =	ssyncset.done @p0 $0x0  }
0x26: {  	[sflag:s5] =	ssyncadd.s32 @p0 $0xFFFFDF80;
	s5 =	sor.u32 @!p0 $0x1C07, s6;
	s6 =	rddreg [dreg:$0x8]  }
0x27: {  	s7 =	simm.s32 @!p0 $0x7;
	s6 =	sshrl.u32 @!p0 s6, $0x3  }
0x28: {  	[spmem:s6], [sflag:s5] =	dma.local @!p0 [hbm:s10], $0x2780  }
0x29: {  	_ =	swait.ge @!p0 [sflag:s7], $0x2780  }
0x2a: {  	[sflag:s7] =	ssyncset.done @!p0 $0x0  }
0x2b: {  	[sflag:s7] =	ssyncadd.s32 @!p0 $0xFFFFD880  }
0x2c: {  	_ =	swait.ge [sflag:s23], $0x80  }
0x2d: {  	[sflag:s23] =	ssyncset.done $0x0  }
0x2e: {  	[sflag:s23] =	ssyncadd.s32 $0xFFFFFF80  }
0x2f: {  	_ =	swait.ge [sflag:s23], $0x80  }
0x30: {  	[sflag:s23] =	ssyncset.done $0x0  }
0x31: {  	[sflag:s23] =	ssyncadd.s32 $0xFFFFFF80  }
0x32: {  	[bflag:$0x0] =	sbarrier.arrive $0xFFFF  }
0x33: {  	[tilespmem:s24], [sflag:$0x3] =	stream.indirect.gather [hbm4b:s1+s21], $0x80, s4, s21, $0xb8;
	[tilespmem:$0x1BE80] =	vst v63  }
0x34: {  	_ =	swait.ge [sflag:s25], $0x4000  }
0x35: {  	[sflag:s25] =	ssyncset.done $0x0  }
0x36: {  	[sflag:s25] =	ssyncadd.s32 $0xFFFFC000  }
0x37: {  	_ =	swait.ge [sflag:s26], $0x80  }
0x38: {  	[sflag:s26] =	ssyncset.done $0x0  }
0x39: {  	[sflag:s26] =	ssyncadd.s32 $0xFFFFFF80  }
0x3a: {  	_ =	swait.ge [sflag:s26], $0x80  }
0x3b: {  	[sflag:s26] =	ssyncset.done $0x0  }
0x3c: {  	[sflag:s26] =	ssyncadd.s32 $0xFFFFFF80  }
0x3d: {  	[tilespmem:s28], [sflag:$0x4] =	stream.indirect.gather [hbm4b:s1+s21], $0x80, s21, s21, $0xb8;
	[tilespmem:$0x1BE80] =	vst v63  }
0x3e: {  	_ = 	snop  }
0x3f: {  	[spmem:s2] =	stream.indirect.scatter.add.f32 [tilespmem:s24], [sflag:$0x5], $0x80, s20, s21, $0xb8;
	[tilespmem:$0x1BE80] =	vst v63  }
0x40: {  	_ =	swait.ge [sflag:s29], $0x4000  }
0x41: {  	[sflag:s29] =	ssyncset.done $0x0  }
0x42: {  	[sflag:s29] =	ssyncadd.s32 $0xFFFFC000  }
0x43: {  	[spmem:s2] =	stream.indirect.scatter.add.f32 [tilespmem:s28], [sflag:$0x6], $0x80, s22, s21, $0xb8;
	[tilespmem:$0x1BE80] =	vst v63  }
0x44: {  	_ =	swait.ge [sflag:s30], $0x4000  }
0x45: {  	[sflag:s30] =	ssyncset.done $0x0  }
0x46: {  	s9 =	sadd.s32 $0x0, s19;
	[sflag:s30] =	ssyncadd.s32 $0xFFFFC000  }
0x47: {  	[tilespmem:s4], [sflag:$0x1] =	stream.linear.gather [hbm4b:s9+s4], $0x80, $0x38;
	[tilespmem:$0x1BE80] =	vst v63  }
0x48: {  	s8 =	sadd.s32 $0x0, s18  }
0x49: {  	[tilespmem:s20], [sflag:$0x1] =	stream.linear.gather [hbm4b:s8+s4], $0x80, $0x38;
	[tilespmem:$0x1BE80] =	vst v63  }
0x4a: {  	_ =	swait.ge [sflag:s23], $0x80  }
0x4b: {  	[sflag:s23] =	ssyncset.done $0x0  }
0x4c: {  	[sflag:s23] =	ssyncadd.s32 $0xFFFFFF80  }
0x4d: {  	_ =	swait.ge [sflag:s23], $0x80  }
0x4e: {  	[sflag:s23] =	ssyncset.done $0x0  }
0x4f: {  	[sflag:s23] =	ssyncadd.s32 $0xFFFFFF80  }
0x50: {  	[tilespmem:s24], [sflag:$0x3] =	stream.indirect.gather [hbm4b:s1+s21], $0x80, s4, s21, $0xb8;
	[tilespmem:$0x1BE80] =	vst v63  }
0x51: {  	_ =	swait.ge [sflag:s31], $0x4000  }
0x52: {  	s7 =	simm.s32 $0x20;
	[sflag:s31] =	ssyncset.done $0x0  }
0x53: {  	s9 =	sadd.s32 $0x0, s17;
	s8 =	sadd.s32 $0x0, s16;
	[sflag:s31] =	ssyncadd.s32 $0xFFFFC000  }
0x54: {  	[tilespmem:s21], [sflag:$0x2] =	stream.linear.gather [hbm4b:s9+s4], $0x80, $0x38;
	[tilespmem:$0x1BE80] =	vst v63  }
.LBB2_2:
0x55: {  	[tilespmem:s22], [sflag:$0x2] =	stream.linear.gather [hbm4b:s8+s4], $0x80, $0x38;
	[tilespmem:$0x1BE80] =	vst v63  }
0x56: {  	s8 =	smov.u32 s7  }
0x57: {  	p1 =	sne.s32 s7, $0x4C0;
	s7 =	sadd.s32 $0x20, s7;
	_ =	swait.ge [sflag:s25], $0x4000  }
0x58: {  	[sflag:s25] =	ssyncset.done $0x0  }
0x59: {  	[sflag:s25] =	ssyncadd.s32 $0xFFFFC000  }
0x5a: {  	_ =	swait.ge [sflag:s26], $0x80  }
0x5b: {  	[sflag:s26] =	ssyncset.done $0x0  }
0x5c: {  	[sflag:s26] =	ssyncadd.s32 $0xFFFFFF80  }
0x5d: {  	_ =	swait.ge [sflag:s26], $0x80  }
0x5e: {  	[sflag:s26] =	ssyncset.done $0x0  }
0x5f: {  	[sflag:s26] =	ssyncadd.s32 $0xFFFFFF80  }
0x60: {  	[tilespmem:s28], [sflag:$0x4] =	stream.indirect.gather [hbm4b:s1+s21], $0x80, s21, s21, $0xb8;
	[tilespmem:$0x1BE80] =	vst v63  }
0x61: {  	_ = 	snop  }
0x62: {  	[spmem:s2] =	stream.indirect.scatter.add.f32 [tilespmem:s24], [sflag:$0x5], $0x80, s20, s21, $0xb8;
	[tilespmem:$0x1BE80] =	vst v63  }
0x63: {  	_ =	swait.ge [sflag:s29], $0x4000  }
0x64: {  	[sflag:s29] =	ssyncset.done $0x0  }
0x65: {  	[sflag:s29] =	ssyncadd.s32 $0xFFFFC000  }
0x66: {  	[spmem:s2] =	stream.indirect.scatter.add.f32 [tilespmem:s28], [sflag:$0x6], $0x80, s22, s21, $0xb8;
	[tilespmem:$0x1BE80] =	vst v63  }
0x67: {  	_ =	swait.ge [sflag:s30], $0x4000  }
0x68: {  	[sflag:s30] =	ssyncset.done $0x0  }
0x69: {  	s9 =	sadd.s32 s8, s19;
	[sflag:s30] =	ssyncadd.s32 $0xFFFFC000  }
0x6a: {  	[tilespmem:s4], [sflag:$0x1] =	stream.linear.gather [hbm4b:s9+s4], $0x80, $0x38;
	[tilespmem:$0x1BE80] =	vst v63  }
0x6b: {  	s9 =	sadd.s32 s8, s18  }
0x6c: {  	[tilespmem:s20], [sflag:$0x1] =	stream.linear.gather [hbm4b:s9+s4], $0x80, $0x38;
	[tilespmem:$0x1BE80] =	vst v63  }
0x6d: {  	_ =	swait.ge [sflag:s23], $0x80  }
0x6e: {  	[sflag:s23] =	ssyncset.done $0x0  }
0x6f: {  	[sflag:s23] =	ssyncadd.s32 $0xFFFFFF80  }
0x70: {  	_ =	swait.ge [sflag:s23], $0x80  }
0x71: {  	[sflag:s23] =	ssyncset.done $0x0  }
0x72: {  	[sflag:s23] =	ssyncadd.s32 $0xFFFFFF80  }
0x73: {  	[tilespmem:s24], [sflag:$0x3] =	stream.indirect.gather [hbm4b:s1+s21], $0x80, s4, s21, $0xb8;
	[tilespmem:$0x1BE80] =	vst v63  }
.Ltmp0:
0x74: {  	_ =	swait.ge [sflag:s31], $0x4000;
	(pc) =	sbr.rel @p1 .LBB2_2-.Ltmp0, $4  }
0x75: {  	[sflag:s31] =	ssyncset.done $0x0  }
0x76: {  	s9 =	sadd.s32 s8, s17;
	[sflag:s31] =	ssyncadd.s32 $0xFFFFC000  }
0x77: {  	[tilespmem:s21], [sflag:$0x2] =	stream.linear.gather [hbm4b:s9+s4], $0x80, $0x38;
	[tilespmem:$0x1BE80] =	vst v63  }
0x78: {  	s8 =	sadd.s32 s8, s16  }
0x79: {  	[tilespmem:s22], [sflag:$0x2] =	stream.linear.gather [hbm4b:s8+s4], $0x80, $0x38;
	[tilespmem:$0x1BE80] =	vst v63  }
0x7a: {  	_ =	swait.ge [sflag:s25], $0x4000  }
0x7b: {  	[sflag:s25] =	ssyncset.done $0x0  }
0x7c: {  	[sflag:s25] =	ssyncadd.s32 $0xFFFFC000  }
0x7d: {  	_ =	swait.ge [sflag:s26], $0x80  }
0x7e: {  	[sflag:s26] =	ssyncset.done $0x0  }
0x7f: {  	[sflag:s26] =	ssyncadd.s32 $0xFFFFFF80  }
0x80: {  	_ =	swait.ge [sflag:s26], $0x80  }
0x81: {  	[sflag:s26] =	ssyncset.done $0x0  }
0x82: {  	[sflag:s26] =	ssyncadd.s32 $0xFFFFFF80  }
0x83: {  	[tilespmem:s28], [sflag:$0x4] =	stream.indirect.gather [hbm4b:s1+s21], $0x80, s21, s21, $0xb8;
	[tilespmem:$0x1BE80] =	vst v63  }
0x84: {  	_ = 	snop  }
0x85: {  	[spmem:s2] =	stream.indirect.scatter.add.f32 [tilespmem:s24], [sflag:$0x5], $0x80, s20, s21, $0xb8;
	[tilespmem:$0x1BE80] =	vst v63  }
0x86: {  	_ =	swait.ge [sflag:s29], $0x4000  }
0x87: {  	[sflag:s29] =	ssyncset.done $0x0  }
0x88: {  	[sflag:s29] =	ssyncadd.s32 $0xFFFFC000  }
0x89: {  	[spmem:s2] =	stream.indirect.scatter.add.f32 [tilespmem:s28], [sflag:$0x6], $0x80, s22, s21, $0xb8;
	[tilespmem:$0x1BE80] =	vst v63  }
0x8a: {  	_ =	swait.ge [sflag:s30], $0x4000  }
0x8b: {  	[sflag:s30] =	ssyncset.done $0x0  }
0x8c: {  	[sflag:s30] =	ssyncadd.s32 $0xFFFFC000  }
0x8d: {  	_ =	swait.ge [sflag:s31], $0x4000  }
0x8e: {  	[sflag:s31] =	ssyncset.done $0x0  }
0x8f: {  	[sflag:s31] =	ssyncadd.s32 $0xFFFFC000  }
0x90: {  	s7 =	simm.s32 @p0 $0x1FC7;
	[bflag:$0x0] =	sbarrier.arrive $0xFFFF  }
0x91: {  	[hbm:s14], [sflag:s7] =	dma.local @p0 [spmem:s3], $0x2080  }
0x92: {  	s3 =	simm.s32 @p0 $0x7  }
0x93: {  	s0 =	sadd.s32 $0x1, s0;
	_ =	swait.ge @p0 [sflag:s3], $0x2080  }
0x94: {  	p1 =	sne.s32 s0, s15;
	[sflag:s3] =	ssyncset.done @p0 $0x0  }
.Ltmp1:
0x95: {  	[sflag:s3] =	ssyncadd.s32 @p0 $0xFFFFDF80;
	s3 =	simm.s32 @!p0 $0x7;
	(pc) =	sbr.rel @p1 .LBB2_1-.Ltmp1, $4  }
0x96: {  	[hbm:s13], [sflag:s5] =	dma.local @!p0 [spmem:s6], $0x2780  }
0x97: {  	_ =	swait.ge @!p0 [sflag:s3], $0x2780  }
0x98: {  	[sflag:s3] =	ssyncset.done @!p0 $0x0  }
0x99: {  	[sflag:s3] =	ssyncadd.s32 @!p0 $0xFFFFD880  }
0x9a: {  	_ =	sfence.sel $0x180000  }
0x9b: {  	[bflag:$0x0] =	sbarrier.arrive $0xFFFF  }
0x9c: {  	_ =	strace $0x9000004A  }
0x9d: {  	s0 =	stileid.u32;
	[bflag:$0x2] =	sbarrier.arrive $0xFFFF  }
0x9e: {  	p0 =	sne.s32 s0, $0x0;
	s0 =	rddreg [dreg:$0x3]  }
0x9f: {  	s0 =	sadd.s32 @!p0 $0x100000, s0  }
0xa0: {  	[sflag:s0] =	ssyncadd.tile.s32 @!p0 $0x1;
	_ =	shalt  }
.Lfunc_end2:
_tile_overlayer_lowered:
.L_overlay_start_2:
0xa1: {  	(tag) =	ssettag $0x2  }
0xa2: {  	s0 =	rddreg [dreg:$0x0];
	s2 =	stileid.u32  }
0xa3: {  	s1 =	rddreg [dreg:$0x1];
	p0 =	sne.s32 s2, $0x0  }
0xa4: {  	s3 =	rddreg [dreg:$0x2];
	[bflag:$0x3] =	sbarrier.arrive $0xFFFF;
	s2 =	simm.s32 @!p0 $0x1C07  }
0xa5: {  	[timem:s3], [sflag:s2] =	dma.local @!p0 [hbm:s0], s1  }
0xa6: {  	s0 =	simm.s32 @!p0 $0x7  }
0xa7: {  	_ =	swait.ge @!p0 [sflag:s0], s1  }
0xa8: {  	s1 =	ssub.s32 @!p0 $0x0, s1;
	[sflag:s0] =	ssyncset.done @!p0 $0x0  }
0xa9: {  	[sflag:s0] =	ssyncadd.s32 @!p0 s1  }
0xaa: {  	[bflag:$0x3] =	sbarrier.arrive $0xFFFF  }
0xab: {  	_ =	shalt  }

// kernel: propagate.7.cloned.1.call-start
scs
__scs_entry_jumppad:
0x0: {  	(pc) =	sbr.rel $0x88, $3  }
0x1: {  	(tag) =	ssettag $0x0;
	lr =	simm.s32 $0x1  }
0x2: {  	[smem:$0x3F9A] =	sst lr;
	_ =	strace $0xD0000000  }
0x3: {  	_ = 	snop  }
0x4: {  	_ = 	snop  }
0x5: {  	_ = 	snop  }
0x6: {  	_ = 	snop  }
0x7: {  	_ = 	snop  }
__scs_overlays_trampoline_lowered:
0x8: {  	[smem:$0x3FA9] =	sst s0  }
0x9: {  	[smem:$0x3FAA] =	sst s1  }
0xa: {  	[smem:$0x3FAB] =	sst s2  }
0xb: {  	[smem:$0x3FAC] =	sst s3  }
0xc: {  	[smem:$0x3FAD] =	sst s4  }
0xd: {  	[smem:$0x3FAE] =	sst s5  }
0xe: {  	[smem:$0x3FAF] =	sst s6  }
0xf: {  	[smem:$0x3FB0] =	sst s7  }
0x10: {  	[smem:$0x3FB1] =	sst s8  }
0x11: {  	[smem:$0x3FB2] =	sst s9;
	s0 =	simm.s32 @!p0 $0x0  }
0x12: {  	s1 =	sld [smem:$0x3F98];
	s0 =	simm.s32 @p0 $0x1  }
0x13: {  	[smem:$0x3FB3] =	sst s0;
	s0 =	simm.s32 @!p1 $0x0  }
0x14: {  	s2 =	sld [smem:$0x3F97];
	s0 =	simm.s32 @p1 $0x1  }
0x15: {  	[smem:$0x3FB4] =	sst s0;
	s0 =	simm.s32 @!p2 $0x0  }
0x16: {  	s3 =	sld [smem:$0x3FDB];
	s0 =	simm.s32 @p2 $0x1  }
0x17: {  	s4 =	simm.s32 $0x1BF5;
	[smem:$0x3FB6] =	sst s0  }
0x18: {  	s0 =	sld [smem:$0x3F99];
	_ =	swait.ge [sflag:s4], $0x0  }
0x19: {  	s7 =	sld [smem:$0x3F9A]  }
0x1a: {  	s8 =	sadd.s32 $0xFFFFE003, lr  }
0x1b: {  	s9 =	sadd.s32 $0xFFFFFEF7, lr;
	s5 =	simm.s32 $0xFFFFFFFF;
	p2 =	slt.u32 s8, $0xFFFFF086  }
0x1c: {  	p1 =	slt.u32 s9, $0xF7A;
	s5 =	simm.s32 @!p2 $0x0  }
0x1d: {  	s5 =	simm.s32 @p1 $0x1;
	p0 =	seq.s32 s7, s2  }
0x1e: {  	s7 =	smul.u32 @!p0 $0xF7A, s2;
	p2 =	seq.s32 @!p0 s5, $0x0  }
0x1f: {  	s9 =	smul.u32 $0xF7A, s1;
	s8 =	simm.s32 @!p0 $0x1BF5;
	p2 =	por !p2, p0  }
0x20: {  	[sflag:s8] =	ssyncset.s32 @!p0 $0xFFFFF086;
	s6 =	sadd.s32 @!p0 s3, s7;
	s7 =	simm.s32 @!p0 $0x108  }
0x21: {  	s3 =	sadd.s32 s3, s9;
	s6 =	sadd.s32 @!p0 $0x88, s6;
	s7 =	simm.s32 @p2 $0x1082  }
0x22: {  	[simem:s7], [sflag:s8] =	dma.local @!p0 [hbm:s6], $0xF7A  }
0x23: {  	s9 =	sor.u32 $0xD0000000, s2;
	s6 =	simm.s32 $0x108;
	_ =	swait.ge @!p0 [sflag:s8], $0x0  }
0x24: {  	s3 =	sadd.s32 $0x88, s3;
	s6 =	simm.s32 @!p1 $0x1082;
	[sflag:s4] =	ssyncset.s32 $0xFFFFF086  }
0x25: {  	[simem:s6], [sflag:s4] =	dma.local [hbm:s3], $0xF7A  }
0x26: {  	[smem:$0x3F9A] =	sst s1;
	(tag) =	ssettag s2;
	_ =	strace s9  }
0x27: {  	s1 =	sld [smem:$0x3FAA]  }
0x28: {  	s2 =	sld [smem:$0x3FAB]  }
0x29: {  	s4 =	sld [smem:$0x3FAD]  }
0x2a: {  	p0 =	seq.s32 s5, $0x0;
	s5 =	sld [smem:$0x3FAE]  }
0x2b: {  	s6 =	sld [smem:$0x3FAF]  }
0x2c: {  	s7 =	sld [smem:$0x3FB0]  }
0x2d: {  	s3 =	simm.s32 $0x108;
	s8 =	sld [smem:$0x3FB1]  }
0x2e: {  	s3 =	simm.s32 @!p0 $0x1082;
	s9 =	sld [smem:$0x3FB2]  }
0x2f: {  	lr =	sadd.s32 s0, s3;
	s0 =	sld [smem:$0x3FA9]  }
0x30: {  	s3 =	sld [smem:$0x3FAC]  }
0x31: {  	[smem:$0x3FB5] =	sst s10  }
0x32: {  	s10 =	sld [smem:$0x3FB3];
	_ =	sdelay $0x3  }
0x33: {  	p0 =	seq.s32 s10, $0x1;
	s10 =	sld [smem:$0x3FB5];
	_ =	sdelay $0x3  }
0x34: {  	[smem:$0x3FB5] =	sst s10  }
0x35: {  	s10 =	sld [smem:$0x3FB4];
	_ =	sdelay $0x3  }
0x36: {  	p1 =	seq.s32 s10, $0x1;
	s10 =	sld [smem:$0x3FB5];
	_ =	sdelay $0x3  }
0x37: {  	[smem:$0x3FB5] =	sst s10  }
0x38: {  	s10 =	sld [smem:$0x3FB6]  }
0x39: {  	_ = 	snop;
	(pc) =	sbr.ind lr, $3  }
0x3a: {  	_ = 	snop  }
0x3b: {  	_ = 	snop  }
0x3c: {  	p2 =	seq.s32 s10, $0x1;
	s10 =	sld [smem:$0x3FB5]  }
0x3d: {  	_ =	shalt  }
0x3e: {  	_ =	shalt  }
0x3f: {  	_ =	shalt  }
0x40: {  	_ =	shalt  }
0x41: {  	_ =	shalt  }
0x42: {  	_ =	shalt  }
0x43: {  	_ =	shalt  }
0x44: {  	_ =	shalt  }
0x45: {  	_ =	shalt  }
0x46: {  	_ =	shalt  }
0x47: {  	_ =	shalt  }
0x48: {  	_ =	shalt  }
0x49: {  	_ =	shalt  }
0x4a: {  	_ =	shalt  }
0x4b: {  	_ =	shalt  }
0x4c: {  	_ =	shalt  }
0x4d: {  	_ =	shalt  }
0x4e: {  	_ =	shalt  }
0x4f: {  	_ =	shalt  }
0x50: {  	_ =	shalt  }
0x51: {  	_ =	shalt  }
0x52: {  	_ =	shalt  }
0x53: {  	_ =	shalt  }
0x54: {  	_ =	shalt  }
0x55: {  	_ =	shalt  }
0x56: {  	_ =	shalt  }
0x57: {  	_ =	shalt  }
0x58: {  	_ =	shalt  }
0x59: {  	_ =	shalt  }
0x5a: {  	_ =	shalt  }
0x5b: {  	_ =	shalt  }
0x5c: {  	_ =	shalt  }
0x5d: {  	_ =	shalt  }
0x5e: {  	_ =	shalt  }
0x5f: {  	_ =	shalt  }
0x60: {  	_ =	shalt  }
0x61: {  	_ =	shalt  }
0x62: {  	_ =	shalt  }
0x63: {  	_ =	shalt  }
0x64: {  	_ =	shalt  }
0x65: {  	_ =	shalt  }
0x66: {  	_ =	shalt  }
0x67: {  	_ =	shalt  }
0x68: {  	_ =	shalt  }
0x69: {  	_ =	shalt  }
0x6a: {  	_ =	shalt  }
0x6b: {  	_ =	shalt  }
0x6c: {  	_ =	shalt  }
0x6d: {  	_ =	shalt  }
0x6e: {  	_ =	shalt  }
0x6f: {  	_ =	shalt  }
0x70: {  	_ =	shalt  }
0x71: {  	_ =	shalt  }
0x72: {  	_ =	shalt  }
0x73: {  	_ =	shalt  }
0x74: {  	_ =	shalt  }
0x75: {  	_ =	shalt  }
0x76: {  	_ =	shalt  }
0x77: {  	_ =	shalt  }
0x78: {  	_ =	shalt  }
0x79: {  	_ =	shalt  }
0x7a: {  	_ =	shalt  }
0x7b: {  	_ =	shalt  }
0x7c: {  	_ =	shalt  }
0x7d: {  	_ =	shalt  }
0x7e: {  	_ =	shalt  }
0x7f: {  	_ =	shalt  }
0x80: {  	_ =	shalt  }
0x81: {  	_ =	shalt  }
0x82: {  	_ =	shalt  }
0x83: {  	_ =	shalt  }
0x84: {  	_ =	shalt  }
0x85: {  	_ =	shalt  }
0x86: {  	_ =	shalt  }
0x87: {  	_ =	shalt  }
.Lfunc_end0:
.L_simem_size_0:
called_computation.2_lowered:
.L_overlay_start_0:
0x88: {  	s2 =	sld [smem:$0x3FD9]  }
0x89: {  	s3 =	sld [smem:$0x3FFE];
	_ =	sdelay $0x1  }
0x8a: {  	s1 =	srdreg.scid  }
0x8b: {  	s0 =	sand.u32 $0x1, s1  }
0x8c: {  	s17 =	sshll.u32 s0, $0xA;
	s2 =	sadd.s32 s3, s2  }
0x8d: {  	s2 =	sadd.s32 s2, s17  }
0x8e: {  	[smem:$0x3FC1] =	sst s2  }
0x8f: {  	_ = 	snop  }
0x90: {  	s2 =	sld [smem:$0x3FD0];
	(tm) =	ssettm $0x1  }
0x91: {  	s18 =	sld [smem:$0x3FFB];
	_ =	sdelay $0x3  }
0x92: {  	_ =	strace s18  }
0x93: {  	s3 =	sld [smem:$0x3FFC];
	_ =	sdelay $0x3  }
0x94: {  	_ =	strace s3  }
0x95: {  	s3 =	sld [smem:$0x3FFD];
	_ =	sdelay $0x3  }
0x96: {  	_ =	strace s3  }
0x97: {  	_ =	strace $0x8FFFFFFF  }
0x98: {  	s19 =	sld [smem:$0x3FDB];
	_ =	sdelay $0x1  }
0x99: {  	s4 =	simm.s32 $_scs_section_size  }
0x9a: {  	s5 =	simm.s32 $_size__tile_overlayer_lowered;
	s6 =	simm.s32 $_tile_overlayer_lowered  }
0x9b: {  	s22 =	simm.s32 $0x1BFF;
	s21 =	sshll.u32 s6, $0x1;
	s3 =	sadd.s32 s4, s19  }
0x9c: {  	s7 =	simm.s32 $0x0;
	s20 =	sshll.u32 s5, $0x1;
	s5 =	sadd.s32 s21, s3  }
0x9d: {  	[timem:s7], [sflag:s22] =	dma.local [hbm:s5], s20  }
0x9e: {  	_ =	swait.ge [sflag:s22], s20  }
0x9f: {  	s4 =	ssub.s32 $0x0, s20;
	[sflag:s22] =	ssyncset.done $0x0  }
0xa0: {  	[sflag:s22] =	ssyncadd.s32 s4;
	_ =	sdelay $0x1  }
0xa1: {  	s23 =	simm.s32 $0x1B8B  }
0xa2: {  	_ =	swait.ge [sflag:s23], $0x1  }
0xa3: {  	[sflag:s23] =	ssyncset.done $0x0  }
0xa4: {  	s25 =	simm.s32 $0x1B8E;
	s24 =	sld [smem:$0x3FFE];
	[sflag:s23] =	ssyncadd.s32 $0xFFFFFFFF  }
0xa5: {  	s26 =	simm.s32 $execute0_lowered;
	[smem:$0x3FD2] =	sst s25  }
0xa6: {  	s5 =	sshll.u32 s26, $0x1;
	_ =	strace $0x8000004C;
	[dreg:$0x1] =	wrdreg $0xFFFFFFFF  }
0xa7: {  	s28 =	simm.s32 $_size_execute0_lowered;
	s3 =	sadd.s32 s3, s5;
	[dreg:$0x0] =	wrdreg $0x0  }
0xa8: {  	s5 =	sshll.u32 s28, $0x1;
	[dreg:$0x2] =	wrdreg s3  }
0xa9: {  	[dreg:$0x3] =	wrdreg s5  }
0xaa: {  	[dreg:$0x4] =	wrdreg $0xC0  }
0xab: {  	_ =	task [dreg:s7], $0x5FFFF  }
0xac: {  	[dreg:$0x1] =	wrdreg $0xFFFFFFFF  }
0xad: {  	[dreg:$0x0] =	wrdreg $0x60  }
0xae: {  	[dreg:$0x2] =	wrdreg s2  }
0xaf: {  	[dreg:$0x3] =	wrdreg s24  }
0xb0: {  	[dreg:$0x4] =	wrdreg $0x82000  }
0xb1: {  	[dreg:$0x5] =	wrdreg $0x9  }
0xb2: {  	_ =	task.clear_ibuf [dreg:s7], $0x6FFFF;
	_ =	strace $0x9000004C  }
0xb3: {  	s29 =	simm.s32 $0x9;
	_ =	strace $0x8000004E  }
0xb4: {  	_ =	swait.ge [sflag:s29], $0x1  }
0xb5: {  	[sflag:s29] =	ssyncadd.s32 $0xFFFFFFFF  }
0xb6: {  	_ =	strace $0x9000004E  }
0xb7: {  	_ =	sfence  }
0xb8: {  	s30 =	sld [smem:$0x0];
	_ =	sdelay $0x2  }
0xb9: {  	s31 =	sshll.u32 s1, $0xD;
	s1 =	sshrl.u32 s1, $0x2  }
0xba: {  	s3 =	sand.u32 $0x4000, s31;
	s1 =	sadd.s32 s1, s30  }
0xbb: {  	s0 =	sor.u32 s3, s0;
	s1 =	sshll.u32 s1, $0x11  }
0xbc: {  	s0 =	sor.u32 s1, s0  }
0xbd: {  	s0 =	sadd.s32 $0x8F2B, s0  }
0xbe: {  	[sflag:s0] =	ssyncadd.remote.s32 $0x1  }
0xbf: {  	_ =	sfence.sel $0xFFFF  }
0xc0: {  	[dreg:$0x0] =	wrdreg $0xFFFFFFFF;
	(pc) =	sbr.abs _section_cstart, $3  }
0xc1: {  	[dreg:$0x1] =	wrdreg $0xFFFFFFFF  }
0xc2: {  	_ =	task.clear_ibuf [dreg:s7], $0x2FFFF;
	_ =	strace $0x9FFFFFFF  }
0xc3: {  	(tm) =	ssettm $0x7FFFFFFF  }
tec
execute0_lowered:
.L_overlay_start_1:
0x0: {  	(tag) =	ssettag $0x1  }
0x1: {  	s1 =	rddreg [dreg:$0x0]  }
0x2: {  	s0 =	rddreg [dreg:$0x1]  }
0x3: {  	s2 =	rddreg [dreg:$0x2]  }
0x4: {  	s3 =	srdreg.scid;
	s4 =	simm.s32 $0x0;
	s20 =	stileid.u32  }
0x5: {  	s28 =	simm.s32 $0x4200;
	s29 =	simm.s32 $0x4;
	s30 =	simm.s32 $0x5  }
0x6: {  	s31 =	simm.s32 $0x6;
	s3 =	sand.u32 $0x1, s3;
	s10 =	smul.u32 $0x4F000, s20  }
0x7: {  	[smem:$0x7FF] =	sst s4;
	s6 =	sadd.s32 $0xC800, s0;
	s11 =	smul.u32 $0x2780, s20  }
0x8: {  	s7 =	sadd.s32 $0x2800, s0;
	s0 =	sadd.s32 $0x16800, s0;
	s14 =	smul.u32 $0x13C00, s20  }
0x9: {  	s24 =	smul.u32 $0x2800, s20;
	s12 =	sadd.s32 $0x25080, s1;
	p0 =	seq.s32 s20, $0xF  }
0xa: {  	s5 =	sshll.u32 s3, $0x4;
	_ =	strace $0x8000004D;
	s13 =	smul.u32 $0x138800, s3  }
0xb: {  	s8 =	ssub.s32 $0x2, s3;
	s3 =	smul.u32 $0x28000, s3;
	s5 =	sor.u32 s20, s5  }
0xc: {  	s9 =	sshrl.u32 s8, $0x1;
	s22 =	sshrl.u32 s10, $0x2;
	s10 =	sadd.s32 s1, s11  }
0xd: {  	s11 =	sadd.s32 $0x128400, s2;
	s20 =	simm.s32 $0x100;
	s5 =	smul.u32 $0x2800, s5  }
0xe: {  	s8 =	ssub.s32 s8, s9;
	s23 =	sadd.s32 s22, s2;
	s14 =	sadd.s32 s14, s13  }
0xf: {  	s13 =	sshrl.u32 s13, $0x3;
	s3 =	sadd.s32 s24, s3;
	s22 =	simm.s32 $0x180  }
0x10: {  	s24 =	simm.s32 $0x200;
	[dreg:$0x8] =	wrdreg s23;
	s14 =	sshrl.u32 s14, $0x3  }
0x11: {  	s15 =	sadd.s32 s0, s13;
	s25 =	sor.u32 $0x180, s3;
	s3 =	sor.u32 $0x100, s3  }
0x12: {  	s23 =	simm.s32 $0x1;
	s5 =	sshrl.u32 s5, $0x3;
	s13 =	sadd.s32 s0, s14  }
0x13: {  	s14 =	sadd.s32 $0x25080, s15;
	s15 =	smax.u32 s8, $0x1;
	s0 =	sshrl.u32 s25, $0x3  }
0x14: {  	s26 =	sshrl.u32 s3, $0x3;
	s25 =	simm.s32 $0x3;
	s18 =	sadd.s32 s6, s5  }
0x15: {  	s19 =	sadd.s32 s7, s5;
	s5 =	sor.u32 $0x10, s5;
	s16 =	sadd.s32 s0, s7  }
0x16: {  	s17 =	sadd.s32 s0, s6;
	s0 =	simm.s32 $0x0;
	[dreg:$0x4] =	wrdreg s18  }
0x17: {  	[dreg:$0x5] =	wrdreg s19;
	s21 =	sadd.s32 s6, s5;
	s5 =	sadd.s32 s7, s5  }
0x18: {  	s18 =	sadd.s32 s26, s7;
	s19 =	sadd.s32 s26, s6;
	[dreg:$0x6] =	wrdreg s21  }
0x19: {  	s26 =	simm.s32 $0x2;
	[dreg:$0x7] =	wrdreg s5;
	s21 =	simm.s32 $0x80  }
.LBB2_1:
0x1a: {  	s3 =	rddreg [dreg:$0x4]  }
0x1b: {  	[tilespmem:s4], [sflag:$0x1] =	stream.linear.gather [hbm4b:s3+s4], $0x80, $0x38;
	[tilespmem:$0x1BE80] =	vst v63  }
0x1c: {  	s6 =	rddreg [dreg:$0x5]  }
0x1d: {  	[tilespmem:s20], [sflag:$0x1] =	stream.linear.gather [hbm4b:s6+s4], $0x80, $0x38;
	[tilespmem:$0x1BE80] =	vst v63  }
0x1e: {  	s7 =	rddreg [dreg:$0x6]  }
0x1f: {  	[tilespmem:s21], [sflag:$0x2] =	stream.linear.gather [hbm4b:s7+s4], $0x80, $0x38;
	[tilespmem:$0x1BE80] =	vst v63  }
0x20: {  	s8 =	rddreg [dreg:$0x7];
	s5 =	simm.s32 @p0 $0x1FC7;
	s3 =	sshrl.u32 @p0 s11, $0x3  }
0x21: {  	[tilespmem:s22], [sflag:$0x2] =	stream.linear.gather [hbm4b:s8+s4], $0x80, $0x38;
	[tilespmem:$0x1BE80] =	vst v63  }
0x22: {  	[spmem:s3], [sflag:s5] =	dma.local @p0 [hbm:s12], $0x2080  }
0x23: {  	s5 =	simm.s32 @p0 $0x7  }
0x24: {  	s6 =	stileid.u32;
	_ =	swait.ge @p0 [sflag:s5], $0x2080  }
0x25: {  	s6 =	sshll.u32 @!p0 s6, $0x6;
	[sflag:s5] =	ssyncset.done @p0 $0x0  }
0x26: {  	[sflag:s5] =	ssyncadd.s32 @p0 $0xFFFFDF80;
	s5 =	sor.u32 @!p0 $0x1C07, s6;
	s6 =	rddreg [dreg:$0x8]  }
0x27: {  	s7 =	simm.s32 @!p0 $0x7;
	s6 =	sshrl.u32 @!p0 s6, $0x3  }
0x28: {  	[spmem:s6], [sflag:s5] =	dma.local @!p0 [hbm:s10], $0x2780  }
0x29: {  	_ =	swait.ge @!p0 [sflag:s7], $0x2780  }
0x2a: {  	[sflag:s7] =	ssyncset.done @!p0 $0x0  }
0x2b: {  	[sflag:s7] =	ssyncadd.s32 @!p0 $0xFFFFD880  }
0x2c: {  	_ =	swait.ge [sflag:s23], $0x80  }
0x2d: {  	[sflag:s23] =	ssyncset.done $0x0  }
0x2e: {  	[sflag:s23] =	ssyncadd.s32 $0xFFFFFF80  }
0x2f: {  	_ =	swait.ge [sflag:s23], $0x80  }
0x30: {  	[sflag:s23] =	ssyncset.done $0x0  }
0x31: {  	[sflag:s23] =	ssyncadd.s32 $0xFFFFFF80  }
0x32: {  	[bflag:$0x0] =	sbarrier.arrive $0xFFFF  }
0x33: {  	[tilespmem:s24], [sflag:$0x3] =	stream.indirect.gather [hbm4b:s1+s21], $0x80, s4, s21, $0xb8;
	[tilespmem:$0x1BE80] =	vst v63  }
0x34: {  	_ =	swait.ge [sflag:s25], $0x4000  }
0x35: {  	[sflag:s25] =	ssyncset.done $0x0  }
0x36: {  	[sflag:s25] =	ssyncadd.s32 $0xFFFFC000  }
0x37: {  	_ =	swait.ge [sflag:s26], $0x80  }
0x38: {  	[sflag:s26] =	ssyncset.done $0x0  }
0x39: {  	[sflag:s26] =	ssyncadd.s32 $0xFFFFFF80  }
0x3a: {  	_ =	swait.ge [sflag:s26], $0x80  }
0x3b: {  	[sflag:s26] =	ssyncset.done $0x0  }
0x3c: {  	[sflag:s26] =	ssyncadd.s32 $0xFFFFFF80  }
0x3d: {  	[tilespmem:s28], [sflag:$0x4] =	stream.indirect.gather [hbm4b:s1+s21], $0x80, s21, s21, $0xb8;
	[tilespmem:$0x1BE80] =	vst v63  }
0x3e: {  	_ = 	snop  }
0x3f: {  	[spmem:s2] =	stream.indirect.scatter.add.f32 [tilespmem:s24], [sflag:$0x5], $0x80, s20, s21, $0xb8;
	[tilespmem:$0x1BE80] =	vst v63  }
0x40: {  	_ =	swait.ge [sflag:s29], $0x4000  }
0x41: {  	[sflag:s29] =	ssyncset.done $0x0  }
0x42: {  	[sflag:s29] =	ssyncadd.s32 $0xFFFFC000  }
0x43: {  	[spmem:s2] =	stream.indirect.scatter.add.f32 [tilespmem:s28], [sflag:$0x6], $0x80, s22, s21, $0xb8;
	[tilespmem:$0x1BE80] =	vst v63  }
0x44: {  	_ =	swait.ge [sflag:s30], $0x4000  }
0x45: {  	[sflag:s30] =	ssyncset.done $0x0  }
0x46: {  	s9 =	sadd.s32 $0x0, s19;
	[sflag:s30] =	ssyncadd.s32 $0xFFFFC000  }
0x47: {  	[tilespmem:s4], [sflag:$0x1] =	stream.linear.gather [hbm4b:s9+s4], $0x80, $0x38;
	[tilespmem:$0x1BE80] =	vst v63  }
0x48: {  	s8 =	sadd.s32 $0x0, s18  }
0x49: {  	[tilespmem:s20], [sflag:$0x1] =	stream.linear.gather [hbm4b:s8+s4], $0x80, $0x38;
	[tilespmem:$0x1BE80] =	vst v63  }
0x4a: {  	_ =	swait.ge [sflag:s23], $0x80  }
0x4b: {  	[sflag:s23] =	ssyncset.done $0x0  }
0x4c: {  	[sflag:s23] =	ssyncadd.s32 $0xFFFFFF80  }
0x4d: {  	_ =	swait.ge [sflag:s23], $0x80  }
0x4e: {  	[sflag:s23] =	ssyncset.done $0x0  }
0x4f: {  	[sflag:s23] =	ssyncadd.s32 $0xFFFFFF80  }
0x50: {  	[tilespmem:s24], [sflag:$0x3] =	stream.indirect.gather [hbm4b:s1+s21], $0x80, s4, s21, $0xb8;
	[tilespmem:$0x1BE80] =	vst v63  }
0x51: {  	_ =	swait.ge [sflag:s31], $0x4000  }
0x52: {  	s7 =	simm.s32 $0x20;
	[sflag:s31] =	ssyncset.done $0x0  }
0x53: {  	s9 =	sadd.s32 $0x0, s17;
	s8 =	sadd.s32 $0x0, s16;
	[sflag:s31] =	ssyncadd.s32 $0xFFFFC000  }
0x54: {  	[tilespmem:s21], [sflag:$0x2] =	stream.linear.gather [hbm4b:s9+s4], $0x80, $0x38;
	[tilespmem:$0x1BE80] =	vst v63  }
.LBB2_2:
0x55: {  	[tilespmem:s22], [sflag:$0x2] =	stream.linear.gather [hbm4b:s8+s4], $0x80, $0x38;
	[tilespmem:$0x1BE80] =	vst v63  }
0x56: {  	s8 =	smov.u32 s7  }
0x57: {  	p1 =	sne.s32 s7, $0x4C0;
	s7 =	sadd.s32 $0x20, s7;
	_ =	swait.ge [sflag:s25], $0x4000  }
0x58: {  	[sflag:s25] =	ssyncset.done $0x0  }
0x59: {  	[sflag:s25] =	ssyncadd.s32 $0xFFFFC000  }
0x5a: {  	_ =	swait.ge [sflag:s26], $0x80  }
0x5b: {  	[sflag:s26] =	ssyncset.done $0x0  }
0x5c: {  	[sflag:s26] =	ssyncadd.s32 $0xFFFFFF80  }
0x5d: {  	_ =	swait.ge [sflag:s26], $0x80  }
0x5e: {  	[sflag:s26] =	ssyncset.done $0x0  }
0x5f: {  	[sflag:s26] =	ssyncadd.s32 $0xFFFFFF80  }
0x60: {  	[tilespmem:s28], [sflag:$0x4] =	stream.indirect.gather [hbm4b:s1+s21], $0x80, s21, s21, $0xb8;
	[tilespmem:$0x1BE80] =	vst v63  }
0x61: {  	_ = 	snop  }
0x62: {  	[spmem:s2] =	stream.indirect.scatter.add.f32 [tilespmem:s24], [sflag:$0x5], $0x80, s20, s21, $0xb8;
	[tilespmem:$0x1BE80] =	vst v63  }
0x63: {  	_ =	swait.ge [sflag:s29], $0x4000  }
0x64: {  	[sflag:s29] =	ssyncset.done $0x0  }
0x65: {  	[sflag:s29] =	ssyncadd.s32 $0xFFFFC000  }
0x66: {  	[spmem:s2] =	stream.indirect.scatter.add.f32 [tilespmem:s28], [sflag:$0x6], $0x80, s22, s21, $0xb8;
	[tilespmem:$0x1BE80] =	vst v63  }
0x67: {  	_ =	swait.ge [sflag:s30], $0x4000  }
0x68: {  	[sflag:s30] =	ssyncset.done $0x0  }
0x69: {  	s9 =	sadd.s32 s8, s19;
	[sflag:s30] =	ssyncadd.s32 $0xFFFFC000  }
0x6a: {  	[tilespmem:s4], [sflag:$0x1] =	stream.linear.gather [hbm4b:s9+s4], $0x80, $0x38;
	[tilespmem:$0x1BE80] =	vst v63  }
0x6b: {  	s9 =	sadd.s32 s8, s18  }
0x6c: {  	[tilespmem:s20], [sflag:$0x1] =	stream.linear.gather [hbm4b:s9+s4], $0x80, $0x38;
	[tilespmem:$0x1BE80] =	vst v63  }
0x6d: {  	_ =	swait.ge [sflag:s23], $0x80  }
0x6e: {  	[sflag:s23] =	ssyncset.done $0x0  }
0x6f: {  	[sflag:s23] =	ssyncadd.s32 $0xFFFFFF80  }
0x70: {  	_ =	swait.ge [sflag:s23], $0x80  }
0x71: {  	[sflag:s23] =	ssyncset.done $0x0  }
0x72: {  	[sflag:s23] =	ssyncadd.s32 $0xFFFFFF80  }
0x73: {  	[tilespmem:s24], [sflag:$0x3] =	stream.indirect.gather [hbm4b:s1+s21], $0x80, s4, s21, $0xb8;
	[tilespmem:$0x1BE80] =	vst v63  }
.Ltmp0:
0x74: {  	_ =	swait.ge [sflag:s31], $0x4000;
	(pc) =	sbr.rel @p1 .LBB2_2-.Ltmp0, $4  }
0x75: {  	[sflag:s31] =	ssyncset.done $0x0  }
0x76: {  	s9 =	sadd.s32 s8, s17;
	[sflag:s31] =	ssyncadd.s32 $0xFFFFC000  }
0x77: {  	[tilespmem:s21], [sflag:$0x2] =	stream.linear.gather [hbm4b:s9+s4], $0x80, $0x38;
	[tilespmem:$0x1BE80] =	vst v63  }
0x78: {  	s8 =	sadd.s32 s8, s16  }
0x79: {  	[tilespmem:s22], [sflag:$0x2] =	stream.linear.gather [hbm4b:s8+s4], $0x80, $0x38;
	[tilespmem:$0x1BE80] =	vst v63  }
0x7a: {  	_ =	swait.ge [sflag:s25], $0x4000  }
0x7b: {  	[sflag:s25] =	ssyncset.done $0x0  }
0x7c: {  	[sflag:s25] =	ssyncadd.s32 $0xFFFFC000  }
0x7d: {  	_ =	swait.ge [sflag:s26], $0x80  }
0x7e: {  	[sflag:s26] =	ssyncset.done $0x0  }
0x7f: {  	[sflag:s26] =	ssyncadd.s32 $0xFFFFFF80  }
0x80: {  	_ =	swait.ge [sflag:s26], $0x80  }
0x81: {  	[sflag:s26] =	ssyncset.done $0x0  }
0x82: {  	[sflag:s26] =	ssyncadd.s32 $0xFFFFFF80  }
0x83: {  	[tilespmem:s28], [sflag:$0x4] =	stream.indirect.gather [hbm4b:s1+s21], $0x80, s21, s21, $0xb8;
	[tilespmem:$0x1BE80] =	vst v63  }
0x84: {  	_ = 	snop  }
0x85: {  	[spmem:s2] =	stream.indirect.scatter.add.f32 [tilespmem:s24], [sflag:$0x5], $0x80, s20, s21, $0xb8;
	[tilespmem:$0x1BE80] =	vst v63  }
0x86: {  	_ =	swait.ge [sflag:s29], $0x4000  }
0x87: {  	[sflag:s29] =	ssyncset.done $0x0  }
0x88: {  	[sflag:s29] =	ssyncadd.s32 $0xFFFFC000  }
0x89: {  	[spmem:s2] =	stream.indirect.scatter.add.f32 [tilespmem:s28], [sflag:$0x6], $0x80, s22, s21, $0xb8;
	[tilespmem:$0x1BE80] =	vst v63  }
0x8a: {  	_ =	swait.ge [sflag:s30], $0x4000  }
0x8b: {  	[sflag:s30] =	ssyncset.done $0x0  }
0x8c: {  	[sflag:s30] =	ssyncadd.s32 $0xFFFFC000  }
0x8d: {  	_ =	swait.ge [sflag:s31], $0x4000  }
0x8e: {  	[sflag:s31] =	ssyncset.done $0x0  }
0x8f: {  	[sflag:s31] =	ssyncadd.s32 $0xFFFFC000  }
0x90: {  	s7 =	simm.s32 @p0 $0x1FC7;
	[bflag:$0x0] =	sbarrier.arrive $0xFFFF  }
0x91: {  	[hbm:s14], [sflag:s7] =	dma.local @p0 [spmem:s3], $0x2080  }
0x92: {  	s3 =	simm.s32 @p0 $0x7  }
0x93: {  	s0 =	sadd.s32 $0x1, s0;
	_ =	swait.ge @p0 [sflag:s3], $0x2080  }
0x94: {  	p1 =	sne.s32 s0, s15;
	[sflag:s3] =	ssyncset.done @p0 $0x0  }
.Ltmp1:
0x95: {  	[sflag:s3] =	ssyncadd.s32 @p0 $0xFFFFDF80;
	s3 =	simm.s32 @!p0 $0x7;
	(pc) =	sbr.rel @p1 .LBB2_1-.Ltmp1, $4  }
0x96: {  	[hbm:s13], [sflag:s5] =	dma.local @!p0 [spmem:s6], $0x2780  }
0x97: {  	_ =	swait.ge @!p0 [sflag:s3], $0x2780  }
0x98: {  	[sflag:s3] =	ssyncset.done @!p0 $0x0  }
0x99: {  	[sflag:s3] =	ssyncadd.s32 @!p0 $0xFFFFD880  }
0x9a: {  	_ =	sfence.sel $0x180000  }
0x9b: {  	[bflag:$0x0] =	sbarrier.arrive $0xFFFF  }
0x9c: {  	_ =	strace $0x9000004D  }
0x9d: {  	s0 =	stileid.u32;
	[bflag:$0x2] =	sbarrier.arrive $0xFFFF  }
0x9e: {  	p0 =	sne.s32 s0, $0x0;
	s0 =	rddreg [dreg:$0x3]  }
0x9f: {  	s0 =	sadd.s32 @!p0 $0x100000, s0  }
0xa0: {  	[sflag:s0] =	ssyncadd.tile.s32 @!p0 $0x1;
	_ =	shalt  }
.Lfunc_end2:
_tile_overlayer_lowered:
.L_overlay_start_2:
0xa1: {  	(tag) =	ssettag $0x2  }
0xa2: {  	s0 =	rddreg [dreg:$0x0];
	s2 =	stileid.u32  }
0xa3: {  	s1 =	rddreg [dreg:$0x1];
	p0 =	sne.s32 s2, $0x0  }
0xa4: {  	s3 =	rddreg [dreg:$0x2];
	[bflag:$0x3] =	sbarrier.arrive $0xFFFF;
	s2 =	simm.s32 @!p0 $0x1C07  }
0xa5: {  	[timem:s3], [sflag:s2] =	dma.local @!p0 [hbm:s0], s1  }
0xa6: {  	s0 =	simm.s32 @!p0 $0x7  }
0xa7: {  	_ =	swait.ge @!p0 [sflag:s0], s1  }
0xa8: {  	s1 =	ssub.s32 @!p0 $0x0, s1;
	[sflag:s0] =	ssyncset.done @!p0 $0x0  }
0xa9: {  	[sflag:s0] =	ssyncadd.s32 @!p0 s1  }
0xaa: {  	[bflag:$0x3] =	sbarrier.arrive $0xFFFF  }
0xab: {  	_ =	shalt  }

</sc_bundles>
